<compile_context>
chip_gen: v7x
topology: tpu7x:2x2x1
jax: 0.10.2.dev20260603
libtpu: 0.0.44.dev20260713+nightly
codegen_flags: <defaults>
</compile_context>

<pallas_src>
import functools

import jax
import jax.numpy as jnp
from jax import lax
from jax.experimental import pallas as pl
from jax.experimental.pallas import tpu as pltpu
from jax.experimental.pallas import tpu_sc as plsc

_N = 10000
_E = 320000
_G = 128
_DOUT = 10

_NTILES = 16
_NPAD = 10240
_NPT = _NPAD // _NTILES
_ECR = _E // _NTILES
_ECP = 20480
_ELAST = 12800
_NCHK = 4
_CHK = _ECP // _NCHK
_L = 16


def _rsqrt16(x):
    i = plsc.bitcast(x, jnp.int32)
    i = 0x5F3759DF - lax.shift_right_arithmetic(i, 1)
    y = plsc.bitcast(i, jnp.float32)
    for _ in range(3):
        y = y * (1.5 - 0.5 * x * y * y)
    return y


def _sc_compute(x_pad, ei):
    mesh = plsc.VectorSubcoreMesh(
        core_axis_name="c", subcore_axis_name="s", num_cores=1,
        num_subcores=_NTILES)

    @functools.partial(
        pl.kernel,
        out_type=(
            jax.ShapeDtypeStruct((_NPAD,), jnp.float32),
            jax.ShapeDtypeStruct((_NPAD,), jnp.float32),
        ),
        mesh=mesh,
        scratch_types=[
            pltpu.VMEM((_ECP,), jnp.int32),
            pltpu.VMEM((_ECP,), jnp.int32),
            pltpu.VMEM((_ECP,), jnp.float32),
            pltpu.VMEM((_NPAD,), jnp.float32),
            pltpu.VMEM((_NPAD,), jnp.float32),
            pltpu.VMEM((_NPAD,), jnp.float32),
            pltpu.VMEM((_NPT,), jnp.float32),
            pltpu.VMEM((_NPT,), jnp.float32),
            pltpu.VMEM_SHARED((_NPAD,), jnp.float32),
            pltpu.VMEM_SHARED((_NPAD,), jnp.float32),
            pltpu.VMEM_SHARED((_NPAD,), jnp.float32),
            pltpu.SemaphoreType.DMA,
        ],
        compiler_params=pltpu.CompilerParams(needs_layout_passes=False),
    )
    def sc_kernel(x_hbm, ei_hbm, t1_hbm, t2_hbm,
                  src_v, dst_v, val_v, x_v, dinv_v, g_v, sl_v, sl2_v,
                  acc_sh, dinv_sh, g_sh, sem):
        tid = lax.axis_index("s")
        nsl = pl.ds(tid * _NPT, _NPT)
        ebase = tid * _ECP
        last = tid == _NTILES - 1

        @pl.when(jnp.logical_not(last))
        def _():
            pltpu.async_copy(ei_hbm.at[0, pl.ds(ebase, _ECP)], src_v, sem)
            pltpu.async_copy(ei_hbm.at[1, pl.ds(ebase, _ECP)], dst_v, sem)

        @pl.when(last)
        def _():
            pltpu.async_copy(ei_hbm.at[0, pl.ds(ebase, _ELAST)],
                             src_v.at[pl.ds(0, _ELAST)], sem)
            pltpu.async_copy(ei_hbm.at[1, pl.ds(ebase, _ELAST)],
                             dst_v.at[pl.ds(0, _ELAST)], sem)

        pltpu.async_copy(x_hbm, x_v, sem)

        @plsc.parallel_loop(0, _ECP, _L, unroll=8)
        def _ones(e):
            val_v[pl.ds(e, _L)] = jnp.ones((_L,), jnp.float32)

        @pl.when(jnp.logical_not(last))
        def _():
            pltpu.make_async_copy(ei_hbm.at[0, pl.ds(ebase, _ECP)], src_v,
                                  sem).wait()
            pltpu.make_async_copy(ei_hbm.at[1, pl.ds(ebase, _ECP)], dst_v,
                                  sem).wait()

        @pl.when(last)
        def _():
            pltpu.make_async_copy(ei_hbm.at[0, pl.ds(ebase, _ELAST)],
                                  src_v.at[pl.ds(0, _ELAST)], sem).wait()
            pltpu.make_async_copy(ei_hbm.at[1, pl.ds(ebase, _ELAST)],
                                  dst_v.at[pl.ds(0, _ELAST)], sem).wait()

            @plsc.parallel_loop(0, _ECP - _ELAST, _L, unroll=8)
            def _pad(p):
                v = _N + lax.rem(lax.iota(jnp.int32, _L) + p, _NPAD - _N)
                src_v[pl.ds(_ELAST + p, _L)] = v
                dst_v[pl.ds(_ELAST + p, _L)] = v

        pltpu.make_async_copy(x_hbm, x_v, sem).wait()

        def _zero_sl():
            @plsc.parallel_loop(0, _NPT, _L, unroll=8)
            def _z(i):
                sl_v[pl.ds(i, _L)] = jnp.zeros((_L,), jnp.float32)
        _zero_sl()
        pltpu.sync_copy(sl_v, acc_sh.at[nsl])

        plsc.subcore_barrier()

        pltpu.sync_copy(val_v, acc_sh.at[src_v], add=True)

        plsc.subcore_barrier()

        pltpu.sync_copy(acc_sh.at[nsl], sl_v)

        @plsc.parallel_loop(0, _NPT, _L, unroll=4)
        def _dinv(i):
            cs = pl.ds(i, _L)
            d = sl_v[cs]
            y = jnp.where(d > 0.5, _rsqrt16(d), 0.0)
            sl_v[cs] = y
            sl2_v[cs] = -y * x_v[pl.ds(tid * _NPT + i, _L)]
        pltpu.sync_copy(sl_v, dinv_sh.at[nsl])
        pltpu.sync_copy(sl2_v, g_sh.at[nsl])
        _zero_sl()
        pltpu.sync_copy(sl_v, acc_sh.at[nsl])

        plsc.subcore_barrier()

        pltpu.sync_copy(dinv_sh, dinv_v)
        pltpu.sync_copy(g_sh, g_v)

        for ch in range(_NCHK):
            c0 = ch * _CHK

            @plsc.parallel_loop(c0, c0 + _CHK, _L, unroll=8)
            def _val1(e):
                cs = pl.ds(e, _L)
                val_v[cs] = (plsc.load_gather(g_v, [src_v[cs]])
                             * plsc.load_gather(dinv_v, [dst_v[cs]]))
            pltpu.async_copy(val_v.at[pl.ds(c0, _CHK)],
                             acc_sh.at[dst_v.at[pl.ds(c0, _CHK)]],
                             sem, add=True)
        for ch in range(_NCHK):
            c0 = ch * _CHK
            pltpu.make_async_copy(val_v.at[pl.ds(c0, _CHK)],
                                  acc_sh.at[dst_v.at[pl.ds(c0, _CHK)]],
                                  sem).wait()

        plsc.subcore_barrier()

        pltpu.sync_copy(acc_sh.at[nsl], sl_v)
        pltpu.sync_copy(sl_v, t1_hbm.at[nsl])

        @plsc.parallel_loop(0, _NPT, _L, unroll=4)
        def _bfill(i):
            cs = pl.ds(i, _L)
            sl2_v[cs] = -2.0 * sl_v[cs] * dinv_v[pl.ds(tid * _NPT + i, _L)]
        pltpu.sync_copy(sl2_v, g_sh.at[nsl])
        _zero_sl()
        pltpu.sync_copy(sl_v, dinv_sh.at[nsl])

        plsc.subcore_barrier()

        pltpu.sync_copy(g_sh, g_v)

        for ch in range(_NCHK):
            c0 = ch * _CHK

            @plsc.parallel_loop(c0, c0 + _CHK, _L, unroll=8)
            def _val2(e):
                cs = pl.ds(e, _L)
                val_v[cs] = (plsc.load_gather(g_v, [src_v[cs]])
                             * plsc.load_gather(dinv_v, [dst_v[cs]]))
            pltpu.async_copy(val_v.at[pl.ds(c0, _CHK)],
                             dinv_sh.at[dst_v.at[pl.ds(c0, _CHK)]],
                             sem, add=True)
        for ch in range(_NCHK):
            c0 = ch * _CHK
            pltpu.make_async_copy(val_v.at[pl.ds(c0, _CHK)],
                                  dinv_sh.at[dst_v.at[pl.ds(c0, _CHK)]],
                                  sem).wait()

        plsc.subcore_barrier()

        pltpu.sync_copy(dinv_sh.at[nsl], sl_v)

        @plsc.parallel_loop(0, _NPT, _L, unroll=4)
        def _t2(i):
            cs = pl.ds(i, _L)
            sl_v[cs] = sl_v[cs] - x_v[pl.ds(tid * _NPT + i, _L)]
        pltpu.sync_copy(sl_v, t2_hbm.at[nsl])

    return sc_kernel(x_pad, ei)


_NB = 1000
_NBLK = _N // _NB


def _tc_body(t_ref, wa_ref, wb_ref, c_ref, bcb_ref, bfc_ref, out_ref,
             acc_ref):
    j = pl.program_id(0)

    @pl.when(j == 0)
    def _():
        acc_ref[...] = jnp.zeros_like(acc_ref)

    tb = t_ref[...]
    h = jnp.dot(tb, c_ref[...], preferred_element_type=jnp.float32)
    h = jnp.maximum(h + bcb_ref[...], 0.0)
    hf = h.reshape(1, _NB * _G)
    pa = lax.dot_general(wa_ref[...], hf, (((1,), (1,)), ((), ())),
                         preferred_element_type=jnp.float32)
    pb = lax.dot_general(wb_ref[...], hf, (((1,), (1,)), ((), ())),
                         preferred_element_type=jnp.float32)
    acc_ref[0:8, 0:1] += pa
    acc_ref[8:_DOUT, 0:1] += pb

    @pl.when(j == _NBLK - 1)
    def _():
        y = acc_ref[0:_DOUT, 0:1] + bfc_ref[...]
        m = jnp.max(y, axis=0, keepdims=True)
        z = y - m
        lse = jnp.log(jnp.sum(jnp.exp(z), axis=0, keepdims=True))
        out_ref[...] = z - lse


def kernel(x, edge_index, W_cheb, b_cheb, W_fc, b_fc):
    x1 = x[:, 0]
    x_pad = jnp.pad(x1, (0, _NPAD - _N))

    t1, t2 = _sc_compute(x_pad, edge_index)

    tmat = jnp.concatenate(
        [x, t1[:_N, None], t2[:_N, None],
         jnp.zeros((_N, 5), jnp.float32)], axis=1)
    W_tail = W_fc[8:_DOUT]
    cmat = jnp.zeros((8, _G), jnp.float32).at[:3].set(W_cheb.reshape(3, _G))
    bcb = b_cheb.reshape(1, _G)
    bfc = b_fc.reshape(_DOUT, 1)

    out = pl.pallas_call(
        _tc_body,
        grid=(_NBLK,),
        in_specs=[
            pl.BlockSpec((_NB, 8), lambda j: (j, 0)),
            pl.BlockSpec((8, _NB * _G), lambda j: (0, j)),
            pl.BlockSpec((2, _NB * _G), lambda j: (0, j)),
            pl.BlockSpec((8, _G), lambda j: (0, 0)),
            pl.BlockSpec((1, _G), lambda j: (0, 0)),
            pl.BlockSpec((_DOUT, 1), lambda j: (0, 0)),
        ],
        out_specs=pl.BlockSpec((_DOUT, 1), lambda j: (0, 0)),
        out_shape=jax.ShapeDtypeStruct((_DOUT, 1), jnp.float32),
        scratch_shapes=[pltpu.VMEM((16, _G), jnp.float32)],
        compiler_params=pltpu.CompilerParams(
            dimension_semantics=("arbitrary",),
            vmem_limit_bytes=100 * 1024 * 1024),
    )(tmat, W_fc, W_tail, cmat, bcb, bfc)
    return out[:, 0]

# --- scband reference (transcript-rebuilt; emitter-appended) ---
"""Pipeline reference for scband-net-13288628814250 (READ-ONLY COPY).

The authoritative reference and input builder live on the scoring server;
editing this copy changes nothing except your own understanding.
"""

import jax, jax.numpy as jnp
import numpy as np

N = 10000
E = 320000
G = 128
K = 3
D_OUT = 10


def setup_inputs(seed: int = 0) -> dict:
    key = jax.random.key(seed)
    ks = jax.random.split(key, 6)
    x = jax.random.normal(ks[0], (N, 1), dtype=jnp.float32)
    edge_index = jax.random.randint(ks[1], (2, E), 0, N, dtype=jnp.int32)
    W_cheb = jax.random.normal(ks[2], (K, 1, G), dtype=jnp.float32) * 0.1
    b_cheb = jnp.zeros((G,), dtype=jnp.float32)
    W_fc = jax.random.normal(ks[3], (D_OUT, N * G), dtype=jnp.float32) * 0.001
    b_fc = jnp.zeros((D_OUT,), dtype=jnp.float32)
    return {"x": x, "edge_index": edge_index, "W_cheb": W_cheb, "b_cheb": b_cheb, "W_fc": W_fc, "b_fc": b_fc}


def reference(x, edge_index, W_cheb, b_cheb, W_fc, b_fc):
    # ChebConv(1, G, K=3) with sym normalization, lambda_max=2.0 (PyG defaults):
    # L_hat = 2L/lambda_max - I = -D^{-1/2} A D^{-1/2} (diag entries become 0)
    src = edge_index[0]
    dst = edge_index[1]
    ew = jnp.ones((E,), dtype=jnp.float32)
    deg = jax.ops.segment_sum(ew, src, num_segments=N)
    dinv = jnp.where(deg > 0, 1.0 / jnp.sqrt(deg), 0.0)
    w = -(dinv[src] * dinv[dst])

    def prop(h):
        return jax.ops.segment_sum(w[:, None] * h[src], dst, num_segments=N)

    Tx0 = x
    Tx1 = prop(Tx0)
    out = Tx0 @ W_cheb[0] + Tx1 @ W_cheb[1]
    Txkm2, Txkm1 = Tx0, Tx1
    for kk in range(2, K):
        Txk = 2.0 * prop(Txkm1) - Txkm2
        out = out + Txk @ W_cheb[kk]
        Txkm2, Txkm1 = Txkm1, Txk
    out = out + b_cheb
    h = jax.nn.relu(out).reshape(-1)
    y = W_fc @ h + b_fc
    return jax.nn.log_softmax(y, axis=0)

if __name__ == "__main__":
    import jax
    _d = setup_inputs()
    print(jax.jit(kernel)(*tuple(_d.values())))

</pallas_src>

<mosaic_0001>
#map = affine_map<(d0, d1) -> (0)>
#map1 = affine_map<(d0, d1) -> (0, 0)>
module attributes {stable_mosaic.version = 14 : i64} {
  func.func @sc_kernel(%arg0: i32, %arg1: i32, %arg2: memref<10240xf32, #tpu.memory_space<hbm>>, %arg3: memref<2x320000xi32, #tpu.memory_space<hbm>>, %arg4: memref<10240xf32, #tpu.memory_space<hbm>>, %arg5: memref<10240xf32, #tpu.memory_space<hbm>>, %arg6: memref<20480xi32, #tpu.memory_space<vmem>>, %arg7: memref<20480xi32, #tpu.memory_space<vmem>>, %arg8: memref<20480xf32, #tpu.memory_space<vmem>>, %arg9: memref<10240xf32, #tpu.memory_space<vmem>>, %arg10: memref<10240xf32, #tpu.memory_space<vmem>>, %arg11: memref<10240xf32, #tpu.memory_space<vmem>>, %arg12: memref<640xf32, #tpu.memory_space<vmem>>, %arg13: memref<640xf32, #tpu.memory_space<vmem>>, %arg14: memref<10240xf32, #tpu.memory_space<vmem_shared>>, %arg15: memref<10240xf32, #tpu.memory_space<vmem_shared>>, %arg16: memref<10240xf32, #tpu.memory_space<vmem_shared>>, %arg17: memref<!tpu.dma_semaphore, #tpu.memory_space<semaphore_mem>>) attributes {dimension_semantics = [#tpu.dimension_semantics<core_parallel>, #tpu.dimension_semantics<subcore_parallel>], iteration_bounds = array<i64: 1, 16>, scalar_prefetch = 0 : i64, scratch_operands = 12 : i64, tpu.core_type = #tpu.core_type<sc_vector_subcore>, window_params = [{transform_indices = #map}, {transform_indices = #map1}, {transform_indices = #map}, {transform_indices = #map}]} {
    %mul3A = arith.constant 640 : i32
    %mul3A_0 = arith.muli %arg1, %mul3A : i32
    %mul3A_1 = arith.constant 20480 : i32
    %mul3A_2 = arith.muli %arg1, %mul3A_1 : i32
    %eq3A = arith.constant 15 : i32
    %eq3A_3 = arith.cmpi eq, %arg1, %eq3A : i32
    %not3A = arith.constant true
    %not3A_4 = arith.xori %eq3A_3, %not3A : i1
    %convert_element_type3A = arith.extui %not3A_4 : i1 to i32
    %cond3A = arith.constant 0 : i32
    %cond3A_5 = arith.cmpi ne, %convert_element_type3A, %cond3A : i32
    scf.if %cond3A_5 {
      %dma_start3A_160 = arith.constant 0 : i32
      %dma_start3A_161 = tpu.memref_slice %arg3[%dma_start3A_160, %mul3A_2] : memref<2x320000xi32, #tpu.memory_space<hbm>> -> memref<1x20480xi32, #tpu.memory_space<hbm>>
      %dma_start3A_162 = tpu.memref_squeeze %dma_start3A_161 : memref<1x20480xi32, #tpu.memory_space<hbm>> -> memref<20480xi32, #tpu.memory_space<hbm>>
      %dma_start3A_163 = tpu.memref_slice %arg3[%dma_start3A_160, %mul3A_2] : memref<2x320000xi32, #tpu.memory_space<hbm>> -> memref<1x20480xi32, #tpu.memory_space<hbm>>
      %dma_start3A_164 = tpu.memref_squeeze %dma_start3A_163 : memref<1x20480xi32, #tpu.memory_space<hbm>> -> memref<20480xi32, #tpu.memory_space<hbm>>
      tpu.enqueue_dma source(%dma_start3A_164 : memref<20480xi32, #tpu.memory_space<hbm>>) target(%arg6 : memref<20480xi32, #tpu.memory_space<vmem>>) target_semaphore(%arg17 : memref<!tpu.dma_semaphore, #tpu.memory_space<semaphore_mem>>)
      %dma_start3A_165 = arith.constant 1 : i32
      %dma_start3A_166 = tpu.memref_slice %arg3[%dma_start3A_165, %mul3A_2] : memref<2x320000xi32, #tpu.memory_space<hbm>> -> memref<1x20480xi32, #tpu.memory_space<hbm>>
      %dma_start3A_167 = tpu.memref_squeeze %dma_start3A_166 : memref<1x20480xi32, #tpu.memory_space<hbm>> -> memref<20480xi32, #tpu.memory_space<hbm>>
      %dma_start3A_168 = tpu.memref_slice %arg3[%dma_start3A_165, %mul3A_2] : memref<2x320000xi32, #tpu.memory_space<hbm>> -> memref<1x20480xi32, #tpu.memory_space<hbm>>
      %dma_start3A_169 = tpu.memref_squeeze %dma_start3A_168 : memref<1x20480xi32, #tpu.memory_space<hbm>> -> memref<20480xi32, #tpu.memory_space<hbm>>
      tpu.enqueue_dma source(%dma_start3A_169 : memref<20480xi32, #tpu.memory_space<hbm>>) target(%arg7 : memref<20480xi32, #tpu.memory_space<vmem>>) target_semaphore(%arg17 : memref<!tpu.dma_semaphore, #tpu.memory_space<semaphore_mem>>)
    } else {
    }
    %convert_element_type3A_6 = arith.extui %eq3A_3 : i1 to i32
    %cond3A_7 = arith.constant 0 : i32
    %cond3A_8 = arith.cmpi ne, %convert_element_type3A_6, %cond3A_7 : i32
    scf.if %cond3A_8 {
      %dma_start3A_160 = arith.constant 0 : i32
      %dma_start3A_161 = arith.constant 0 : i32
      %dma_start3A_162 = tpu.memref_slice %arg6[%dma_start3A_161] : memref<20480xi32, #tpu.memory_space<vmem>> -> memref<12800xi32, #tpu.memory_space<vmem>>
      %dma_start3A_163 = tpu.memref_slice %arg3[%dma_start3A_160, %mul3A_2] : memref<2x320000xi32, #tpu.memory_space<hbm>> -> memref<1x12800xi32, #tpu.memory_space<hbm>>
      %dma_start3A_164 = tpu.memref_squeeze %dma_start3A_163 : memref<1x12800xi32, #tpu.memory_space<hbm>> -> memref<12800xi32, #tpu.memory_space<hbm>>
      %dma_start3A_165 = arith.constant 0 : i32
      %dma_start3A_166 = tpu.memref_slice %arg6[%dma_start3A_165] : memref<20480xi32, #tpu.memory_space<vmem>> -> memref<12800xi32, #tpu.memory_space<vmem>>
      %dma_start3A_167 = tpu.memref_slice %arg3[%dma_start3A_160, %mul3A_2] : memref<2x320000xi32, #tpu.memory_space<hbm>> -> memref<1x12800xi32, #tpu.memory_space<hbm>>
      %dma_start3A_168 = tpu.memref_squeeze %dma_start3A_167 : memref<1x12800xi32, #tpu.memory_space<hbm>> -> memref<12800xi32, #tpu.memory_space<hbm>>
      tpu.enqueue_dma source(%dma_start3A_168 : memref<12800xi32, #tpu.memory_space<hbm>>) target(%dma_start3A_166 : memref<12800xi32, #tpu.memory_space<vmem>>) target_semaphore(%arg17 : memref<!tpu.dma_semaphore, #tpu.memory_space<semaphore_mem>>)
      %dma_start3A_169 = arith.constant 1 : i32
      %dma_start3A_170 = arith.constant 0 : i32
      %dma_start3A_171 = tpu.memref_slice %arg7[%dma_start3A_170] : memref<20480xi32, #tpu.memory_space<vmem>> -> memref<12800xi32, #tpu.memory_space<vmem>>
      %dma_start3A_172 = tpu.memref_slice %arg3[%dma_start3A_169, %mul3A_2] : memref<2x320000xi32, #tpu.memory_space<hbm>> -> memref<1x12800xi32, #tpu.memory_space<hbm>>
      %dma_start3A_173 = tpu.memref_squeeze %dma_start3A_172 : memref<1x12800xi32, #tpu.memory_space<hbm>> -> memref<12800xi32, #tpu.memory_space<hbm>>
      %dma_start3A_174 = arith.constant 0 : i32
      %dma_start3A_175 = tpu.memref_slice %arg7[%dma_start3A_174] : memref<20480xi32, #tpu.memory_space<vmem>> -> memref<12800xi32, #tpu.memory_space<vmem>>
      %dma_start3A_176 = tpu.memref_slice %arg3[%dma_start3A_169, %mul3A_2] : memref<2x320000xi32, #tpu.memory_space<hbm>> -> memref<1x12800xi32, #tpu.memory_space<hbm>>
      %dma_start3A_177 = tpu.memref_squeeze %dma_start3A_176 : memref<1x12800xi32, #tpu.memory_space<hbm>> -> memref<12800xi32, #tpu.memory_space<hbm>>
      tpu.enqueue_dma source(%dma_start3A_177 : memref<12800xi32, #tpu.memory_space<hbm>>) target(%dma_start3A_175 : memref<12800xi32, #tpu.memory_space<vmem>>) target_semaphore(%arg17 : memref<!tpu.dma_semaphore, #tpu.memory_space<semaphore_mem>>)
    } else {
    }
    tpu.enqueue_dma source(%arg2 : memref<10240xf32, #tpu.memory_space<hbm>>) target(%arg9 : memref<10240xf32, #tpu.memory_space<vmem>>) target_semaphore(%arg17 : memref<!tpu.dma_semaphore, #tpu.memory_space<semaphore_mem>>)
    %parallel_loop3A = arith.constant 0 : i32
    %parallel_loop3A_9 = arith.constant 20480 : i32
    %parallel_loop3A_10 = arith.constant 16 : i32
    scf.for %parallel_loop3A_160 = %parallel_loop3A to %parallel_loop3A_9 step %parallel_loop3A_10  : i32 {
      %parallel_loop3A_161 = arith.constant 1.000000e+00 : f32
      %parallel_loop3A_162 = vector.broadcast %parallel_loop3A_161 : f32 to vector<16xf32>
      %parallel_loop3A_163 = arith.index_cast %parallel_loop3A_160 : i32 to index
      %parallel_loop3A_164 = tpu.vector_load %arg8[%parallel_loop3A_163] {strides = array<i32>} : memref<20480xf32, #tpu.memory_space<vmem>>, vector<16xf32>,
      tpu.vector_store %arg8[%parallel_loop3A_163], %parallel_loop3A_162 {strides = array<i32>} : memref<20480xf32, #tpu.memory_space<vmem>>, vector<16xf32>,
    } {sc.loop_unroll_factor = 8 : i64, sc.parallel_access}
    %not3A_11 = arith.constant true
    %not3A_12 = arith.xori %eq3A_3, %not3A_11 : i1
    %convert_element_type3A_13 = arith.extui %not3A_12 : i1 to i32
    %cond3A_14 = arith.constant 0 : i32
    %cond3A_15 = arith.cmpi ne, %convert_element_type3A_13, %cond3A_14 : i32
    scf.if %cond3A_15 {
      %dma_wait3A_160 = arith.constant 0 : i32
      %dma_wait3A_161 = tpu.memref_slice %arg3[%dma_wait3A_160, %mul3A_2] : memref<2x320000xi32, #tpu.memory_space<hbm>> -> memref<1x20480xi32, #tpu.memory_space<hbm>>
      %dma_wait3A_162 = tpu.memref_squeeze %dma_wait3A_161 : memref<1x20480xi32, #tpu.memory_space<hbm>> -> memref<20480xi32, #tpu.memory_space<hbm>>
      %dma_wait3A_163 = tpu.memref_slice %arg3[%dma_wait3A_160, %mul3A_2] : memref<2x320000xi32, #tpu.memory_space<hbm>> -> memref<1x20480xi32, #tpu.memory_space<hbm>>
      %dma_wait3A_164 = tpu.memref_squeeze %dma_wait3A_163 : memref<1x20480xi32, #tpu.memory_space<hbm>> -> memref<20480xi32, #tpu.memory_space<hbm>>
      tpu.wait_dma2 semaphore(%arg17 : memref<!tpu.dma_semaphore, #tpu.memory_space<semaphore_mem>>) src(%dma_wait3A_164 : memref<20480xi32, #tpu.memory_space<hbm>>) dst(%arg6 : memref<20480xi32, #tpu.memory_space<vmem>>)
      %dma_wait3A_165 = arith.constant 1 : i32
      %dma_wait3A_166 = tpu.memref_slice %arg3[%dma_wait3A_165, %mul3A_2] : memref<2x320000xi32, #tpu.memory_space<hbm>> -> memref<1x20480xi32, #tpu.memory_space<hbm>>
      %dma_wait3A_167 = tpu.memref_squeeze %dma_wait3A_166 : memref<1x20480xi32, #tpu.memory_space<hbm>> -> memref<20480xi32, #tpu.memory_space<hbm>>
      %dma_wait3A_168 = tpu.memref_slice %arg3[%dma_wait3A_165, %mul3A_2] : memref<2x320000xi32, #tpu.memory_space<hbm>> -> memref<1x20480xi32, #tpu.memory_space<hbm>>
      %dma_wait3A_169 = tpu.memref_squeeze %dma_wait3A_168 : memref<1x20480xi32, #tpu.memory_space<hbm>> -> memref<20480xi32, #tpu.memory_space<hbm>>
      tpu.wait_dma2 semaphore(%arg17 : memref<!tpu.dma_semaphore, #tpu.memory_space<semaphore_mem>>) src(%dma_wait3A_169 : memref<20480xi32, #tpu.memory_space<hbm>>) dst(%arg7 : memref<20480xi32, #tpu.memory_space<vmem>>)
    } else {
    }
    %convert_element_type3A_16 = arith.extui %eq3A_3 : i1 to i32
    %cond3A_17 = arith.constant 0 : i32
    %cond3A_18 = arith.cmpi ne, %convert_element_type3A_16, %cond3A_17 : i32
    scf.if %cond3A_18 {
      %dma_wait3A_160 = arith.constant 0 : i32
      %dma_wait3A_161 = arith.constant 0 : i32
      %dma_wait3A_162 = tpu.memref_slice %arg6[%dma_wait3A_161] : memref<20480xi32, #tpu.memory_space<vmem>> -> memref<12800xi32, #tpu.memory_space<vmem>>
      %dma_wait3A_163 = tpu.memref_slice %arg3[%dma_wait3A_160, %mul3A_2] : memref<2x320000xi32, #tpu.memory_space<hbm>> -> memref<1x12800xi32, #tpu.memory_space<hbm>>
      %dma_wait3A_164 = tpu.memref_squeeze %dma_wait3A_163 : memref<1x12800xi32, #tpu.memory_space<hbm>> -> memref<12800xi32, #tpu.memory_space<hbm>>
      %dma_wait3A_165 = arith.constant 0 : i32
      %dma_wait3A_166 = tpu.memref_slice %arg6[%dma_wait3A_165] : memref<20480xi32, #tpu.memory_space<vmem>> -> memref<12800xi32, #tpu.memory_space<vmem>>
      %dma_wait3A_167 = tpu.memref_slice %arg3[%dma_wait3A_160, %mul3A_2] : memref<2x320000xi32, #tpu.memory_space<hbm>> -> memref<1x12800xi32, #tpu.memory_space<hbm>>
      %dma_wait3A_168 = tpu.memref_squeeze %dma_wait3A_167 : memref<1x12800xi32, #tpu.memory_space<hbm>> -> memref<12800xi32, #tpu.memory_space<hbm>>
      tpu.wait_dma2 semaphore(%arg17 : memref<!tpu.dma_semaphore, #tpu.memory_space<semaphore_mem>>) src(%dma_wait3A_168 : memref<12800xi32, #tpu.memory_space<hbm>>) dst(%dma_wait3A_166 : memref<12800xi32, #tpu.memory_space<vmem>>)
      %dma_wait3A_169 = arith.constant 1 : i32
      %dma_wait3A_170 = arith.constant 0 : i32
      %dma_wait3A_171 = tpu.memref_slice %arg7[%dma_wait3A_170] : memref<20480xi32, #tpu.memory_space<vmem>> -> memref<12800xi32, #tpu.memory_space<vmem>>
      %dma_wait3A_172 = tpu.memref_slice %arg3[%dma_wait3A_169, %mul3A_2] : memref<2x320000xi32, #tpu.memory_space<hbm>> -> memref<1x12800xi32, #tpu.memory_space<hbm>>
      %dma_wait3A_173 = tpu.memref_squeeze %dma_wait3A_172 : memref<1x12800xi32, #tpu.memory_space<hbm>> -> memref<12800xi32, #tpu.memory_space<hbm>>
      %dma_wait3A_174 = arith.constant 0 : i32
      %dma_wait3A_175 = tpu.memref_slice %arg7[%dma_wait3A_174] : memref<20480xi32, #tpu.memory_space<vmem>> -> memref<12800xi32, #tpu.memory_space<vmem>>
      %dma_wait3A_176 = tpu.memref_slice %arg3[%dma_wait3A_169, %mul3A_2] : memref<2x320000xi32, #tpu.memory_space<hbm>> -> memref<1x12800xi32, #tpu.memory_space<hbm>>
      %dma_wait3A_177 = tpu.memref_squeeze %dma_wait3A_176 : memref<1x12800xi32, #tpu.memory_space<hbm>> -> memref<12800xi32, #tpu.memory_space<hbm>>
      tpu.wait_dma2 semaphore(%arg17 : memref<!tpu.dma_semaphore, #tpu.memory_space<semaphore_mem>>) src(%dma_wait3A_177 : memref<12800xi32, #tpu.memory_space<hbm>>) dst(%dma_wait3A_175 : memref<12800xi32, #tpu.memory_space<vmem>>)
      %parallel_loop3A_178 = arith.constant 0 : i32
      %parallel_loop3A_179 = arith.constant 7680 : i32
      %parallel_loop3A_180 = arith.constant 16 : i32
      scf.for %parallel_loop3A_181 = %parallel_loop3A_178 to %parallel_loop3A_179 step %parallel_loop3A_180  : i32 {
        %parallel_loop3A_182 = tpu.iota {dimensions = array<i32: 0>} : vector<16xi32>
        %parallel_loop3A_183 = vector.broadcast %parallel_loop3A_181 : i32 to vector<16xi32>
        %parallel_loop3A_184 = arith.addi %parallel_loop3A_182, %parallel_loop3A_183 : vector<16xi32>
        %parallel_loop3A_185 = arith.constant 240 : i32
        %parallel_loop3A_186 = vector.broadcast %parallel_loop3A_185 : i32 to vector<16xi32>
        %parallel_loop3A_187 = arith.remsi %parallel_loop3A_184, %parallel_loop3A_186 : vector<16xi32>
        %parallel_loop3A_188 = arith.constant 10000 : i32
        %parallel_loop3A_189 = vector.broadcast %parallel_loop3A_188 : i32 to vector<16xi32>
        %parallel_loop3A_190 = arith.addi %parallel_loop3A_189, %parallel_loop3A_187 : vector<16xi32>
        %parallel_loop3A_191 = arith.constant 12800 : i32
        %parallel_loop3A_192 = arith.addi %parallel_loop3A_191, %parallel_loop3A_181 : i32
        %parallel_loop3A_193 = arith.index_cast %parallel_loop3A_192 : i32 to index
        %parallel_loop3A_194 = tpu.vector_load %arg6[%parallel_loop3A_193] {strides = array<i32>} : memref<20480xi32, #tpu.memory_space<vmem>>, vector<16xi32>,
        tpu.vector_store %arg6[%parallel_loop3A_193], %parallel_loop3A_190 {strides = array<i32>} : memref<20480xi32, #tpu.memory_space<vmem>>, vector<16xi32>,
        %parallel_loop3A_195 = arith.constant 12800 : i32
        %parallel_loop3A_196 = arith.addi %parallel_loop3A_195, %parallel_loop3A_181 : i32
        %parallel_loop3A_197 = arith.index_cast %parallel_loop3A_196 : i32 to index
        %parallel_loop3A_198 = tpu.vector_load %arg7[%parallel_loop3A_197] {strides = array<i32>} : memref<20480xi32, #tpu.memory_space<vmem>>, vector<16xi32>,
        tpu.vector_store %arg7[%parallel_loop3A_197], %parallel_loop3A_190 {strides = array<i32>} : memref<20480xi32, #tpu.memory_space<vmem>>, vector<16xi32>,
      } {sc.loop_unroll_factor = 8 : i64, sc.parallel_access}
    } else {
    }
    tpu.wait_dma2 semaphore(%arg17 : memref<!tpu.dma_semaphore, #tpu.memory_space<semaphore_mem>>) src(%arg2 : memref<10240xf32, #tpu.memory_space<hbm>>) dst(%arg9 : memref<10240xf32, #tpu.memory_space<vmem>>)
    %parallel_loop3A_19 = arith.constant 0 : i32
    %parallel_loop3A_20 = arith.constant 640 : i32
    %parallel_loop3A_21 = arith.constant 16 : i32
    scf.for %parallel_loop3A_160 = %parallel_loop3A_19 to %parallel_loop3A_20 step %parallel_loop3A_21  : i32 {
      %parallel_loop3A_161 = arith.constant 0.000000e+00 : f32
      %parallel_loop3A_162 = vector.broadcast %parallel_loop3A_161 : f32 to vector<16xf32>
      %parallel_loop3A_163 = arith.index_cast %parallel_loop3A_160 : i32 to index
      %parallel_loop3A_164 = tpu.vector_load %arg12[%parallel_loop3A_163] {strides = array<i32>} : memref<640xf32, #tpu.memory_space<vmem>>, vector<16xf32>,
      tpu.vector_store %arg12[%parallel_loop3A_163], %parallel_loop3A_162 {strides = array<i32>} : memref<640xf32, #tpu.memory_space<vmem>>, vector<16xf32>,
    } {sc.loop_unroll_factor = 8 : i64, sc.parallel_access}
    "tpu.region"() ({
      %run_scoped3A = tpu.sem_alloc : memref<!tpu.dma_semaphore, #tpu.memory_space<semaphore_mem>>
      %dma_start3A_160 = tpu.memref_slice %arg14[%mul3A_0] : memref<10240xf32, #tpu.memory_space<vmem_shared>> -> memref<640xf32, #tpu.memory_space<vmem_shared>>
      %dma_start3A_161 = tpu.memref_slice %arg14[%mul3A_0] : memref<10240xf32, #tpu.memory_space<vmem_shared>> -> memref<640xf32, #tpu.memory_space<vmem_shared>>
      tpu.enqueue_dma source(%arg12 : memref<640xf32, #tpu.memory_space<vmem>>) target(%dma_start3A_161 : memref<640xf32, #tpu.memory_space<vmem_shared>>) target_semaphore(%run_scoped3A : memref<!tpu.dma_semaphore, #tpu.memory_space<semaphore_mem>>)
      %dma_wait3A_162 = tpu.memref_slice %arg14[%mul3A_0] : memref<10240xf32, #tpu.memory_space<vmem_shared>> -> memref<640xf32, #tpu.memory_space<vmem_shared>>
      %dma_wait3A_163 = tpu.memref_slice %arg14[%mul3A_0] : memref<10240xf32, #tpu.memory_space<vmem_shared>> -> memref<640xf32, #tpu.memory_space<vmem_shared>>
      tpu.wait_dma2 semaphore(%run_scoped3A : memref<!tpu.dma_semaphore, #tpu.memory_space<semaphore_mem>>) src(%arg12 : memref<640xf32, #tpu.memory_space<vmem>>) dst(%dma_wait3A_163 : memref<640xf32, #tpu.memory_space<vmem_shared>>)
      tpu.yield
    }) : () -> ()
    %barrier3A = arith.constant 0 : index
    tpu.barrier barrier_id(%barrier3A)
    "tpu.region"() ({
      %run_scoped3A = tpu.sem_alloc : memref<!tpu.dma_semaphore, #tpu.memory_space<semaphore_mem>>
      %dma_start3A_160 = arith.constant 0 : i32
      %dma_start3A_161 = tpu.memref_slice %arg14[%dma_start3A_160] : memref<10240xf32, #tpu.memory_space<vmem_shared>> -> memref<10240xf32, #tpu.memory_space<vmem_shared>>
      tpu.enqueue_indirect_dma source(%arg8 : memref<20480xf32, #tpu.memory_space<vmem>>) target(%dma_start3A_161 : memref<10240xf32, #tpu.memory_space<vmem_shared>>) offsets(%arg6 : memref<20480xi32, #tpu.memory_space<vmem>>) semaphore(%run_scoped3A : memref<!tpu.dma_semaphore, #tpu.memory_space<semaphore_mem>>) {add = true}
      %dma_wait3A_162 = arith.constant 0 : i32
      %dma_wait3A_163 = tpu.memref_slice %arg14[%dma_wait3A_162] : memref<10240xf32, #tpu.memory_space<vmem_shared>> -> memref<10240xf32, #tpu.memory_space<vmem_shared>>
      tpu.wait_indirect_dma semaphore(%run_scoped3A : memref<!tpu.dma_semaphore, #tpu.memory_space<semaphore_mem>>) src(%arg8 : memref<20480xf32, #tpu.memory_space<vmem>>) dst(%dma_wait3A_163 : memref<10240xf32, #tpu.memory_space<vmem_shared>>)
      tpu.yield
    }) : () -> ()
    %barrier3A_22 = arith.constant 0 : index
    tpu.barrier barrier_id(%barrier3A_22)
    "tpu.region"() ({
      %run_scoped3A = tpu.sem_alloc : memref<!tpu.dma_semaphore, #tpu.memory_space<semaphore_mem>>
      %dma_start3A_160 = tpu.memref_slice %arg14[%mul3A_0] : memref<10240xf32, #tpu.memory_space<vmem_shared>> -> memref<640xf32, #tpu.memory_space<vmem_shared>>
      %dma_start3A_161 = tpu.memref_slice %arg14[%mul3A_0] : memref<10240xf32, #tpu.memory_space<vmem_shared>> -> memref<640xf32, #tpu.memory_space<vmem_shared>>
      tpu.enqueue_dma source(%dma_start3A_161 : memref<640xf32, #tpu.memory_space<vmem_shared>>) target(%arg12 : memref<640xf32, #tpu.memory_space<vmem>>) target_semaphore(%run_scoped3A : memref<!tpu.dma_semaphore, #tpu.memory_space<semaphore_mem>>)
      %dma_wait3A_162 = tpu.memref_slice %arg14[%mul3A_0] : memref<10240xf32, #tpu.memory_space<vmem_shared>> -> memref<640xf32, #tpu.memory_space<vmem_shared>>
      %dma_wait3A_163 = tpu.memref_slice %arg14[%mul3A_0] : memref<10240xf32, #tpu.memory_space<vmem_shared>> -> memref<640xf32, #tpu.memory_space<vmem_shared>>
      tpu.wait_dma2 semaphore(%run_scoped3A : memref<!tpu.dma_semaphore, #tpu.memory_space<semaphore_mem>>) src(%dma_wait3A_163 : memref<640xf32, #tpu.memory_space<vmem_shared>>) dst(%arg12 : memref<640xf32, #tpu.memory_space<vmem>>)
      tpu.yield
    }) : () -> ()
    %parallel_loop3A_23 = arith.constant 0 : i32
    %parallel_loop3A_24 = arith.constant 640 : i32
    %parallel_loop3A_25 = arith.constant 16 : i32
    scf.for %parallel_loop3A_160 = %parallel_loop3A_23 to %parallel_loop3A_24 step %parallel_loop3A_25  : i32 {
      %parallel_loop3A_161 = arith.index_cast %parallel_loop3A_160 : i32 to index
      %parallel_loop3A_162 = tpu.vector_load %arg12[%parallel_loop3A_161] {strides = array<i32>} : memref<640xf32, #tpu.memory_space<vmem>>, vector<16xf32>,
      %parallel_loop3A_163 = arith.constant 5.000000e-01 : f32
      %parallel_loop3A_164 = vector.broadcast %parallel_loop3A_163 : f32 to vector<16xf32>
      %parallel_loop3A_165 = arith.cmpf ogt, %parallel_loop3A_162, %parallel_loop3A_164 : vector<16xf32>
      %parallel_loop3A_166 = vector.bitcast %parallel_loop3A_162 : vector<16xf32> to vector<16xi32>
      %parallel_loop3A_167 = arith.constant 1 : i32
      %parallel_loop3A_168 = vector.broadcast %parallel_loop3A_167 : i32 to vector<16xi32>
      %parallel_loop3A_169 = arith.shrsi %parallel_loop3A_166, %parallel_loop3A_168 : vector<16xi32>
      %parallel_loop3A_170 = arith.constant 1597463007 : i32
      %parallel_loop3A_171 = vector.broadcast %parallel_loop3A_170 : i32 to vector<16xi32>
      %parallel_loop3A_172 = arith.subi %parallel_loop3A_171, %parallel_loop3A_169 : vector<16xi32>
      %parallel_loop3A_173 = vector.bitcast %parallel_loop3A_172 : vector<16xi32> to vector<16xf32>
      %parallel_loop3A_174 = arith.constant 5.000000e-01 : f32
      %parallel_loop3A_175 = vector.broadcast %parallel_loop3A_174 : f32 to vector<16xf32>
      %parallel_loop3A_176 = arith.mulf %parallel_loop3A_175, %parallel_loop3A_162 : vector<16xf32>
      %parallel_loop3A_177 = arith.mulf %parallel_loop3A_176, %parallel_loop3A_173 : vector<16xf32>
      %parallel_loop3A_178 = arith.mulf %parallel_loop3A_177, %parallel_loop3A_173 : vector<16xf32>
      %parallel_loop3A_179 = arith.constant 1.500000e+00 : f32
      %parallel_loop3A_180 = vector.broadcast %parallel_loop3A_179 : f32 to vector<16xf32>
      %parallel_loop3A_181 = arith.subf %parallel_loop3A_180, %parallel_loop3A_178 : vector<16xf32>
      %parallel_loop3A_182 = arith.mulf %parallel_loop3A_173, %parallel_loop3A_181 : vector<16xf32>
      %parallel_loop3A_183 = arith.constant 5.000000e-01 : f32
      %parallel_loop3A_184 = vector.broadcast %parallel_loop3A_183 : f32 to vector<16xf32>
      %parallel_loop3A_185 = arith.mulf %parallel_loop3A_184, %parallel_loop3A_162 : vector<16xf32>
      %parallel_loop3A_186 = arith.mulf %parallel_loop3A_185, %parallel_loop3A_182 : vector<16xf32>
      %parallel_loop3A_187 = arith.mulf %parallel_loop3A_186, %parallel_loop3A_182 : vector<16xf32>
      %parallel_loop3A_188 = arith.constant 1.500000e+00 : f32
      %parallel_loop3A_189 = vector.broadcast %parallel_loop3A_188 : f32 to vector<16xf32>
      %parallel_loop3A_190 = arith.subf %parallel_loop3A_189, %parallel_loop3A_187 : vector<16xf32>
      %parallel_loop3A_191 = arith.mulf %parallel_loop3A_182, %parallel_loop3A_190 : vector<16xf32>
      %parallel_loop3A_192 = arith.constant 5.000000e-01 : f32
      %parallel_loop3A_193 = vector.broadcast %parallel_loop3A_192 : f32 to vector<16xf32>
      %parallel_loop3A_194 = arith.mulf %parallel_loop3A_193, %parallel_loop3A_162 : vector<16xf32>
      %parallel_loop3A_195 = arith.mulf %parallel_loop3A_194, %parallel_loop3A_191 : vector<16xf32>
      %parallel_loop3A_196 = arith.mulf %parallel_loop3A_195, %parallel_loop3A_191 : vector<16xf32>
      %parallel_loop3A_197 = arith.constant 1.500000e+00 : f32
      %parallel_loop3A_198 = vector.broadcast %parallel_loop3A_197 : f32 to vector<16xf32>
      %parallel_loop3A_199 = arith.subf %parallel_loop3A_198, %parallel_loop3A_196 : vector<16xf32>
      %parallel_loop3A_200 = arith.mulf %parallel_loop3A_191, %parallel_loop3A_199 : vector<16xf32>
      %parallel_loop3A_201 = arith.constant 0.000000e+00 : f32
      %parallel_loop3A_202 = vector.broadcast %parallel_loop3A_201 : f32 to vector<16xf32>
      %parallel_loop3A_203 = arith.select %parallel_loop3A_165, %parallel_loop3A_200, %parallel_loop3A_202 : vector<16xi1>, vector<16xf32>
      %parallel_loop3A_204 = arith.index_cast %parallel_loop3A_160 : i32 to index
      %parallel_loop3A_205 = tpu.vector_load %arg12[%parallel_loop3A_204] {strides = array<i32>} : memref<640xf32, #tpu.memory_space<vmem>>, vector<16xf32>,
      tpu.vector_store %arg12[%parallel_loop3A_204], %parallel_loop3A_203 {strides = array<i32>} : memref<640xf32, #tpu.memory_space<vmem>>, vector<16xf32>,
      %parallel_loop3A_206 = arith.constant 0.000000e+00 : f32
      %parallel_loop3A_207 = vector.broadcast %parallel_loop3A_206 : f32 to vector<16xf32>
      %parallel_loop3A_208 = arith.subf %parallel_loop3A_207, %parallel_loop3A_203 : vector<16xf32>
      %parallel_loop3A_209 = arith.constant 640 : i32
      %parallel_loop3A_210 = arith.muli %arg1, %parallel_loop3A_209 : i32
      %parallel_loop3A_211 = arith.addi %parallel_loop3A_210, %parallel_loop3A_160 : i32
      %parallel_loop3A_212 = arith.index_cast %parallel_loop3A_211 : i32 to index
      %parallel_loop3A_213 = tpu.vector_load %arg9[%parallel_loop3A_212] {strides = array<i32>} : memref<10240xf32, #tpu.memory_space<vmem>>, vector<16xf32>,
      %parallel_loop3A_214 = arith.mulf %parallel_loop3A_208, %parallel_loop3A_213 : vector<16xf32>
      %parallel_loop3A_215 = arith.index_cast %parallel_loop3A_160 : i32 to index
      %parallel_loop3A_216 = tpu.vector_load %arg13[%parallel_loop3A_215] {strides = array<i32>} : memref<640xf32, #tpu.memory_space<vmem>>, vector<16xf32>,
      tpu.vector_store %arg13[%parallel_loop3A_215], %parallel_loop3A_214 {strides = array<i32>} : memref<640xf32, #tpu.memory_space<vmem>>, vector<16xf32>,
    } {sc.loop_unroll_factor = 4 : i64, sc.parallel_access}
    "tpu.region"() ({
      %run_scoped3A = tpu.sem_alloc : memref<!tpu.dma_semaphore, #tpu.memory_space<semaphore_mem>>
      %dma_start3A_160 = tpu.memref_slice %arg15[%mul3A_0] : memref<10240xf32, #tpu.memory_space<vmem_shared>> -> memref<640xf32, #tpu.memory_space<vmem_shared>>
      %dma_start3A_161 = tpu.memref_slice %arg15[%mul3A_0] : memref<10240xf32, #tpu.memory_space<vmem_shared>> -> memref<640xf32, #tpu.memory_space<vmem_shared>>
      tpu.enqueue_dma source(%arg12 : memref<640xf32, #tpu.memory_space<vmem>>) target(%dma_start3A_161 : memref<640xf32, #tpu.memory_space<vmem_shared>>) target_semaphore(%run_scoped3A : memref<!tpu.dma_semaphore, #tpu.memory_space<semaphore_mem>>)
      %dma_wait3A_162 = tpu.memref_slice %arg15[%mul3A_0] : memref<10240xf32, #tpu.memory_space<vmem_shared>> -> memref<640xf32, #tpu.memory_space<vmem_shared>>
      %dma_wait3A_163 = tpu.memref_slice %arg15[%mul3A_0] : memref<10240xf32, #tpu.memory_space<vmem_shared>> -> memref<640xf32, #tpu.memory_space<vmem_shared>>
      tpu.wait_dma2 semaphore(%run_scoped3A : memref<!tpu.dma_semaphore, #tpu.memory_space<semaphore_mem>>) src(%arg12 : memref<640xf32, #tpu.memory_space<vmem>>) dst(%dma_wait3A_163 : memref<640xf32, #tpu.memory_space<vmem_shared>>)
      tpu.yield
    }) : () -> ()
    "tpu.region"() ({
      %run_scoped3A = tpu.sem_alloc : memref<!tpu.dma_semaphore, #tpu.memory_space<semaphore_mem>>
      %dma_start3A_160 = tpu.memref_slice %arg16[%mul3A_0] : memref<10240xf32, #tpu.memory_space<vmem_shared>> -> memref<640xf32, #tpu.memory_space<vmem_shared>>
      %dma_start3A_161 = tpu.memref_slice %arg16[%mul3A_0] : memref<10240xf32, #tpu.memory_space<vmem_shared>> -> memref<640xf32, #tpu.memory_space<vmem_shared>>
      tpu.enqueue_dma source(%arg13 : memref<640xf32, #tpu.memory_space<vmem>>) target(%dma_start3A_161 : memref<640xf32, #tpu.memory_space<vmem_shared>>) target_semaphore(%run_scoped3A : memref<!tpu.dma_semaphore, #tpu.memory_space<semaphore_mem>>)
      %dma_wait3A_162 = tpu.memref_slice %arg16[%mul3A_0] : memref<10240xf32, #tpu.memory_space<vmem_shared>> -> memref<640xf32, #tpu.memory_space<vmem_shared>>
      %dma_wait3A_163 = tpu.memref_slice %arg16[%mul3A_0] : memref<10240xf32, #tpu.memory_space<vmem_shared>> -> memref<640xf32, #tpu.memory_space<vmem_shared>>
      tpu.wait_dma2 semaphore(%run_scoped3A : memref<!tpu.dma_semaphore, #tpu.memory_space<semaphore_mem>>) src(%arg13 : memref<640xf32, #tpu.memory_space<vmem>>) dst(%dma_wait3A_163 : memref<640xf32, #tpu.memory_space<vmem_shared>>)
      tpu.yield
    }) : () -> ()
    %parallel_loop3A_26 = arith.constant 0 : i32
    %parallel_loop3A_27 = arith.constant 640 : i32
    %parallel_loop3A_28 = arith.constant 16 : i32
    scf.for %parallel_loop3A_160 = %parallel_loop3A_26 to %parallel_loop3A_27 step %parallel_loop3A_28  : i32 {
      %parallel_loop3A_161 = arith.constant 0.000000e+00 : f32
      %parallel_loop3A_162 = vector.broadcast %parallel_loop3A_161 : f32 to vector<16xf32>
      %parallel_loop3A_163 = arith.index_cast %parallel_loop3A_160 : i32 to index
      %parallel_loop3A_164 = tpu.vector_load %arg12[%parallel_loop3A_163] {strides = array<i32>} : memref<640xf32, #tpu.memory_space<vmem>>, vector<16xf32>,
      tpu.vector_store %arg12[%parallel_loop3A_163], %parallel_loop3A_162 {strides = array<i32>} : memref<640xf32, #tpu.memory_space<vmem>>, vector<16xf32>,
    } {sc.loop_unroll_factor = 8 : i64, sc.parallel_access}
    "tpu.region"() ({
      %run_scoped3A = tpu.sem_alloc : memref<!tpu.dma_semaphore, #tpu.memory_space<semaphore_mem>>
      %dma_start3A_160 = tpu.memref_slice %arg14[%mul3A_0] : memref<10240xf32, #tpu.memory_space<vmem_shared>> -> memref<640xf32, #tpu.memory_space<vmem_shared>>
      %dma_start3A_161 = tpu.memref_slice %arg14[%mul3A_0] : memref<10240xf32, #tpu.memory_space<vmem_shared>> -> memref<640xf32, #tpu.memory_space<vmem_shared>>
      tpu.enqueue_dma source(%arg12 : memref<640xf32, #tpu.memory_space<vmem>>) target(%dma_start3A_161 : memref<640xf32, #tpu.memory_space<vmem_shared>>) target_semaphore(%run_scoped3A : memref<!tpu.dma_semaphore, #tpu.memory_space<semaphore_mem>>)
      %dma_wait3A_162 = tpu.memref_slice %arg14[%mul3A_0] : memref<10240xf32, #tpu.memory_space<vmem_shared>> -> memref<640xf32, #tpu.memory_space<vmem_shared>>
      %dma_wait3A_163 = tpu.memref_slice %arg14[%mul3A_0] : memref<10240xf32, #tpu.memory_space<vmem_shared>> -> memref<640xf32, #tpu.memory_space<vmem_shared>>
      tpu.wait_dma2 semaphore(%run_scoped3A : memref<!tpu.dma_semaphore, #tpu.memory_space<semaphore_mem>>) src(%arg12 : memref<640xf32, #tpu.memory_space<vmem>>) dst(%dma_wait3A_163 : memref<640xf32, #tpu.memory_space<vmem_shared>>)
      tpu.yield
    }) : () -> ()
    %barrier3A_29 = arith.constant 0 : index
    tpu.barrier barrier_id(%barrier3A_29)
    "tpu.region"() ({
      %run_scoped3A = tpu.sem_alloc : memref<!tpu.dma_semaphore, #tpu.memory_space<semaphore_mem>>
      tpu.enqueue_dma source(%arg15 : memref<10240xf32, #tpu.memory_space<vmem_shared>>) target(%arg10 : memref<10240xf32, #tpu.memory_space<vmem>>) target_semaphore(%run_scoped3A : memref<!tpu.dma_semaphore, #tpu.memory_space<semaphore_mem>>)
      tpu.wait_dma2 semaphore(%run_scoped3A : memref<!tpu.dma_semaphore, #tpu.memory_space<semaphore_mem>>) src(%arg15 : memref<10240xf32, #tpu.memory_space<vmem_shared>>) dst(%arg10 : memref<10240xf32, #tpu.memory_space<vmem>>)
      tpu.yield
    }) : () -> ()
    "tpu.region"() ({
      %run_scoped3A = tpu.sem_alloc : memref<!tpu.dma_semaphore, #tpu.memory_space<semaphore_mem>>
      tpu.enqueue_dma source(%arg16 : memref<10240xf32, #tpu.memory_space<vmem_shared>>) target(%arg11 : memref<10240xf32, #tpu.memory_space<vmem>>) target_semaphore(%run_scoped3A : memref<!tpu.dma_semaphore, #tpu.memory_space<semaphore_mem>>)
      tpu.wait_dma2 semaphore(%run_scoped3A : memref<!tpu.dma_semaphore, #tpu.memory_space<semaphore_mem>>) src(%arg16 : memref<10240xf32, #tpu.memory_space<vmem_shared>>) dst(%arg11 : memref<10240xf32, #tpu.memory_space<vmem>>)
      tpu.yield
    }) : () -> ()
    %parallel_loop3A_30 = arith.constant 0 : i32
    %parallel_loop3A_31 = arith.constant 5120 : i32
    %parallel_loop3A_32 = arith.constant 16 : i32
    scf.for %parallel_loop3A_160 = %parallel_loop3A_30 to %parallel_loop3A_31 step %parallel_loop3A_32  : i32 {
      %parallel_loop3A_161 = arith.index_cast %parallel_loop3A_160 : i32 to index
      %parallel_loop3A_162 = tpu.vector_load %arg6[%parallel_loop3A_161] {strides = array<i32>} : memref<20480xi32, #tpu.memory_space<vmem>>, vector<16xi32>,
      %parallel_loop3A_163 = tpu.vector_load_idx %arg11[%parallel_loop3A_162] : memref<10240xf32, #tpu.memory_space<vmem>>[vector<16xi32>], vector<16xf32>,
      %parallel_loop3A_164 = arith.index_cast %parallel_loop3A_160 : i32 to index
      %parallel_loop3A_165 = tpu.vector_load %arg7[%parallel_loop3A_164] {strides = array<i32>} : memref<20480xi32, #tpu.memory_space<vmem>>, vector<16xi32>,
      %parallel_loop3A_166 = tpu.vector_load_idx %arg10[%parallel_loop3A_165] : memref<10240xf32, #tpu.memory_space<vmem>>[vector<16xi32>], vector<16xf32>,
      %parallel_loop3A_167 = arith.mulf %parallel_loop3A_163, %parallel_loop3A_166 : vector<16xf32>
      %parallel_loop3A_168 = arith.index_cast %parallel_loop3A_160 : i32 to index
      %parallel_loop3A_169 = tpu.vector_load %arg8[%parallel_loop3A_168] {strides = array<i32>} : memref<20480xf32, #tpu.memory_space<vmem>>, vector<16xf32>,
      tpu.vector_store %arg8[%parallel_loop3A_168], %parallel_loop3A_167 {strides = array<i32>} : memref<20480xf32, #tpu.memory_space<vmem>>, vector<16xf32>,
    } {sc.loop_unroll_factor = 8 : i64, sc.parallel_access}
    %dma_start3A = arith.constant 0 : i32
    %dma_start3A_33 = tpu.memref_slice %arg8[%dma_start3A] : memref<20480xf32, #tpu.memory_space<vmem>> -> memref<5120xf32, #tpu.memory_space<vmem>>
    %dma_start3A_34 = arith.constant 0 : i32
    %dma_start3A_35 = tpu.memref_slice %arg7[%dma_start3A_34] : memref<20480xi32, #tpu.memory_space<vmem>> -> memref<5120xi32, #tpu.memory_space<vmem>>
    %dma_start3A_36 = arith.constant 0 : i32
    %dma_start3A_37 = tpu.memref_slice %arg14[%dma_start3A_36] : memref<10240xf32, #tpu.memory_space<vmem_shared>> -> memref<10240xf32, #tpu.memory_space<vmem_shared>>
    tpu.enqueue_indirect_dma source(%dma_start3A_33 : memref<5120xf32, #tpu.memory_space<vmem>>) target(%dma_start3A_37 : memref<10240xf32, #tpu.memory_space<vmem_shared>>) offsets(%dma_start3A_35 : memref<5120xi32, #tpu.memory_space<vmem>>) semaphore(%arg17 : memref<!tpu.dma_semaphore, #tpu.memory_space<semaphore_mem>>) {add = true}
    %parallel_loop3A_38 = arith.constant 5120 : i32
    %parallel_loop3A_39 = arith.constant 10240 : i32
    %parallel_loop3A_40 = arith.constant 16 : i32
    scf.for %parallel_loop3A_160 = %parallel_loop3A_38 to %parallel_loop3A_39 step %parallel_loop3A_40  : i32 {
      %parallel_loop3A_161 = arith.index_cast %parallel_loop3A_160 : i32 to index
      %parallel_loop3A_162 = tpu.vector_load %arg6[%parallel_loop3A_161] {strides = array<i32>} : memref<20480xi32, #tpu.memory_space<vmem>>, vector<16xi32>,
      %parallel_loop3A_163 = tpu.vector_load_idx %arg11[%parallel_loop3A_162] : memref<10240xf32, #tpu.memory_space<vmem>>[vector<16xi32>], vector<16xf32>,
      %parallel_loop3A_164 = arith.index_cast %parallel_loop3A_160 : i32 to index
      %parallel_loop3A_165 = tpu.vector_load %arg7[%parallel_loop3A_164] {strides = array<i32>} : memref<20480xi32, #tpu.memory_space<vmem>>, vector<16xi32>,
      %parallel_loop3A_166 = tpu.vector_load_idx %arg10[%parallel_loop3A_165] : memref<10240xf32, #tpu.memory_space<vmem>>[vector<16xi32>], vector<16xf32>,
      %parallel_loop3A_167 = arith.mulf %parallel_loop3A_163, %parallel_loop3A_166 : vector<16xf32>
      %parallel_loop3A_168 = arith.index_cast %parallel_loop3A_160 : i32 to index
      %parallel_loop3A_169 = tpu.vector_load %arg8[%parallel_loop3A_168] {strides = array<i32>} : memref<20480xf32, #tpu.memory_space<vmem>>, vector<16xf32>,
      tpu.vector_store %arg8[%parallel_loop3A_168], %parallel_loop3A_167 {strides = array<i32>} : memref<20480xf32, #tpu.memory_space<vmem>>, vector<16xf32>,
    } {sc.loop_unroll_factor = 8 : i64, sc.parallel_access}
    %dma_start3A_41 = arith.constant 5120 : i32
    %dma_start3A_42 = tpu.memref_slice %arg8[%dma_start3A_41] : memref<20480xf32, #tpu.memory_space<vmem>> -> memref<5120xf32, #tpu.memory_space<vmem>>
    %dma_start3A_43 = arith.constant 5120 : i32
    %dma_start3A_44 = tpu.memref_slice %arg7[%dma_start3A_43] : memref<20480xi32, #tpu.memory_space<vmem>> -> memref<5120xi32, #tpu.memory_space<vmem>>
    %dma_start3A_45 = arith.constant 0 : i32
    %dma_start3A_46 = tpu.memref_slice %arg14[%dma_start3A_45] : memref<10240xf32, #tpu.memory_space<vmem_shared>> -> memref<10240xf32, #tpu.memory_space<vmem_shared>>
    tpu.enqueue_indirect_dma source(%dma_start3A_42 : memref<5120xf32, #tpu.memory_space<vmem>>) target(%dma_start3A_46 : memref<10240xf32, #tpu.memory_space<vmem_shared>>) offsets(%dma_start3A_44 : memref<5120xi32, #tpu.memory_space<vmem>>) semaphore(%arg17 : memref<!tpu.dma_semaphore, #tpu.memory_space<semaphore_mem>>) {add = true}
    %parallel_loop3A_47 = arith.constant 10240 : i32
    %parallel_loop3A_48 = arith.constant 15360 : i32
    %parallel_loop3A_49 = arith.constant 16 : i32
    scf.for %parallel_loop3A_160 = %parallel_loop3A_47 to %parallel_loop3A_48 step %parallel_loop3A_49  : i32 {
      %parallel_loop3A_161 = arith.index_cast %parallel_loop3A_160 : i32 to index
      %parallel_loop3A_162 = tpu.vector_load %arg6[%parallel_loop3A_161] {strides = array<i32>} : memref<20480xi32, #tpu.memory_space<vmem>>, vector<16xi32>,
      %parallel_loop3A_163 = tpu.vector_load_idx %arg11[%parallel_loop3A_162] : memref<10240xf32, #tpu.memory_space<vmem>>[vector<16xi32>], vector<16xf32>,
      %parallel_loop3A_164 = arith.index_cast %parallel_loop3A_160 : i32 to index
      %parallel_loop3A_165 = tpu.vector_load %arg7[%parallel_loop3A_164] {strides = array<i32>} : memref<20480xi32, #tpu.memory_space<vmem>>, vector<16xi32>,
      %parallel_loop3A_166 = tpu.vector_load_idx %arg10[%parallel_loop3A_165] : memref<10240xf32, #tpu.memory_space<vmem>>[vector<16xi32>], vector<16xf32>,
      %parallel_loop3A_167 = arith.mulf %parallel_loop3A_163, %parallel_loop3A_166 : vector<16xf32>
      %parallel_loop3A_168 = arith.index_cast %parallel_loop3A_160 : i32 to index
      %parallel_loop3A_169 = tpu.vector_load %arg8[%parallel_loop3A_168] {strides = array<i32>} : memref<20480xf32, #tpu.memory_space<vmem>>, vector<16xf32>,
      tpu.vector_store %arg8[%parallel_loop3A_168], %parallel_loop3A_167 {strides = array<i32>} : memref<20480xf32, #tpu.memory_space<vmem>>, vector<16xf32>,
    } {sc.loop_unroll_factor = 8 : i64, sc.parallel_access}
    %dma_start3A_50 = arith.constant 10240 : i32
    %dma_start3A_51 = tpu.memref_slice %arg8[%dma_start3A_50] : memref<20480xf32, #tpu.memory_space<vmem>> -> memref<5120xf32, #tpu.memory_space<vmem>>
    %dma_start3A_52 = arith.constant 10240 : i32
    %dma_start3A_53 = tpu.memref_slice %arg7[%dma_start3A_52] : memref<20480xi32, #tpu.memory_space<vmem>> -> memref<5120xi32, #tpu.memory_space<vmem>>
    %dma_start3A_54 = arith.constant 0 : i32
    %dma_start3A_55 = tpu.memref_slice %arg14[%dma_start3A_54] : memref<10240xf32, #tpu.memory_space<vmem_shared>> -> memref<10240xf32, #tpu.memory_space<vmem_shared>>
    tpu.enqueue_indirect_dma source(%dma_start3A_51 : memref<5120xf32, #tpu.memory_space<vmem>>) target(%dma_start3A_55 : memref<10240xf32, #tpu.memory_space<vmem_shared>>) offsets(%dma_start3A_53 : memref<5120xi32, #tpu.memory_space<vmem>>) semaphore(%arg17 : memref<!tpu.dma_semaphore, #tpu.memory_space<semaphore_mem>>) {add = true}
    %parallel_loop3A_56 = arith.constant 15360 : i32
    %parallel_loop3A_57 = arith.constant 20480 : i32
    %parallel_loop3A_58 = arith.constant 16 : i32
    scf.for %parallel_loop3A_160 = %parallel_loop3A_56 to %parallel_loop3A_57 step %parallel_loop3A_58  : i32 {
      %parallel_loop3A_161 = arith.index_cast %parallel_loop3A_160 : i32 to index
      %parallel_loop3A_162 = tpu.vector_load %arg6[%parallel_loop3A_161] {strides = array<i32>} : memref<20480xi32, #tpu.memory_space<vmem>>, vector<16xi32>,
      %parallel_loop3A_163 = tpu.vector_load_idx %arg11[%parallel_loop3A_162] : memref<10240xf32, #tpu.memory_space<vmem>>[vector<16xi32>], vector<16xf32>,
      %parallel_loop3A_164 = arith.index_cast %parallel_loop3A_160 : i32 to index
      %parallel_loop3A_165 = tpu.vector_load %arg7[%parallel_loop3A_164] {strides = array<i32>} : memref<20480xi32, #tpu.memory_space<vmem>>, vector<16xi32>,
      %parallel_loop3A_166 = tpu.vector_load_idx %arg10[%parallel_loop3A_165] : memref<10240xf32, #tpu.memory_space<vmem>>[vector<16xi32>], vector<16xf32>,
      %parallel_loop3A_167 = arith.mulf %parallel_loop3A_163, %parallel_loop3A_166 : vector<16xf32>
      %parallel_loop3A_168 = arith.index_cast %parallel_loop3A_160 : i32 to index
      %parallel_loop3A_169 = tpu.vector_load %arg8[%parallel_loop3A_168] {strides = array<i32>} : memref<20480xf32, #tpu.memory_space<vmem>>, vector<16xf32>,
      tpu.vector_store %arg8[%parallel_loop3A_168], %parallel_loop3A_167 {strides = array<i32>} : memref<20480xf32, #tpu.memory_space<vmem>>, vector<16xf32>,
    } {sc.loop_unroll_factor = 8 : i64, sc.parallel_access}
    %dma_start3A_59 = arith.constant 15360 : i32
    %dma_start3A_60 = tpu.memref_slice %arg8[%dma_start3A_59] : memref<20480xf32, #tpu.memory_space<vmem>> -> memref<5120xf32, #tpu.memory_space<vmem>>
    %dma_start3A_61 = arith.constant 15360 : i32
    %dma_start3A_62 = tpu.memref_slice %arg7[%dma_start3A_61] : memref<20480xi32, #tpu.memory_space<vmem>> -> memref<5120xi32, #tpu.memory_space<vmem>>
    %dma_start3A_63 = arith.constant 0 : i32
    %dma_start3A_64 = tpu.memref_slice %arg14[%dma_start3A_63] : memref<10240xf32, #tpu.memory_space<vmem_shared>> -> memref<10240xf32, #tpu.memory_space<vmem_shared>>
    tpu.enqueue_indirect_dma source(%dma_start3A_60 : memref<5120xf32, #tpu.memory_space<vmem>>) target(%dma_start3A_64 : memref<10240xf32, #tpu.memory_space<vmem_shared>>) offsets(%dma_start3A_62 : memref<5120xi32, #tpu.memory_space<vmem>>) semaphore(%arg17 : memref<!tpu.dma_semaphore, #tpu.memory_space<semaphore_mem>>) {add = true}
    %dma_wait3A = arith.constant 0 : i32
    %dma_wait3A_65 = tpu.memref_slice %arg8[%dma_wait3A] : memref<20480xf32, #tpu.memory_space<vmem>> -> memref<5120xf32, #tpu.memory_space<vmem>>
    %dma_wait3A_66 = arith.constant 0 : i32
    %dma_wait3A_67 = tpu.memref_slice %arg7[%dma_wait3A_66] : memref<20480xi32, #tpu.memory_space<vmem>> -> memref<5120xi32, #tpu.memory_space<vmem>>
    %dma_wait3A_68 = arith.constant 0 : i32
    %dma_wait3A_69 = tpu.memref_slice %arg14[%dma_wait3A_68] : memref<10240xf32, #tpu.memory_space<vmem_shared>> -> memref<10240xf32, #tpu.memory_space<vmem_shared>>
    tpu.wait_indirect_dma semaphore(%arg17 : memref<!tpu.dma_semaphore, #tpu.memory_space<semaphore_mem>>) src(%dma_wait3A_65 : memref<5120xf32, #tpu.memory_space<vmem>>) dst(%dma_wait3A_69 : memref<10240xf32, #tpu.memory_space<vmem_shared>>)
    %dma_wait3A_70 = arith.constant 5120 : i32
    %dma_wait3A_71 = tpu.memref_slice %arg8[%dma_wait3A_70] : memref<20480xf32, #tpu.memory_space<vmem>> -> memref<5120xf32, #tpu.memory_space<vmem>>
    %dma_wait3A_72 = arith.constant 5120 : i32
    %dma_wait3A_73 = tpu.memref_slice %arg7[%dma_wait3A_72] : memref<20480xi32, #tpu.memory_space<vmem>> -> memref<5120xi32, #tpu.memory_space<vmem>>
    %dma_wait3A_74 = arith.constant 0 : i32
    %dma_wait3A_75 = tpu.memref_slice %arg14[%dma_wait3A_74] : memref<10240xf32, #tpu.memory_space<vmem_shared>> -> memref<10240xf32, #tpu.memory_space<vmem_shared>>
    tpu.wait_indirect_dma semaphore(%arg17 : memref<!tpu.dma_semaphore, #tpu.memory_space<semaphore_mem>>) src(%dma_wait3A_71 : memref<5120xf32, #tpu.memory_space<vmem>>) dst(%dma_wait3A_75 : memref<10240xf32, #tpu.memory_space<vmem_shared>>)
    %dma_wait3A_76 = arith.constant 10240 : i32
    %dma_wait3A_77 = tpu.memref_slice %arg8[%dma_wait3A_76] : memref<20480xf32, #tpu.memory_space<vmem>> -> memref<5120xf32, #tpu.memory_space<vmem>>
    %dma_wait3A_78 = arith.constant 10240 : i32
    %dma_wait3A_79 = tpu.memref_slice %arg7[%dma_wait3A_78] : memref<20480xi32, #tpu.memory_space<vmem>> -> memref<5120xi32, #tpu.memory_space<vmem>>
    %dma_wait3A_80 = arith.constant 0 : i32
    %dma_wait3A_81 = tpu.memref_slice %arg14[%dma_wait3A_80] : memref<10240xf32, #tpu.memory_space<vmem_shared>> -> memref<10240xf32, #tpu.memory_space<vmem_shared>>
    tpu.wait_indirect_dma semaphore(%arg17 : memref<!tpu.dma_semaphore, #tpu.memory_space<semaphore_mem>>) src(%dma_wait3A_77 : memref<5120xf32, #tpu.memory_space<vmem>>) dst(%dma_wait3A_81 : memref<10240xf32, #tpu.memory_space<vmem_shared>>)
    %dma_wait3A_82 = arith.constant 15360 : i32
    %dma_wait3A_83 = tpu.memref_slice %arg8[%dma_wait3A_82] : memref<20480xf32, #tpu.memory_space<vmem>> -> memref<5120xf32, #tpu.memory_space<vmem>>
    %dma_wait3A_84 = arith.constant 15360 : i32
    %dma_wait3A_85 = tpu.memref_slice %arg7[%dma_wait3A_84] : memref<20480xi32, #tpu.memory_space<vmem>> -> memref<5120xi32, #tpu.memory_space<vmem>>
    %dma_wait3A_86 = arith.constant 0 : i32
    %dma_wait3A_87 = tpu.memref_slice %arg14[%dma_wait3A_86] : memref<10240xf32, #tpu.memory_space<vmem_shared>> -> memref<10240xf32, #tpu.memory_space<vmem_shared>>
    tpu.wait_indirect_dma semaphore(%arg17 : memref<!tpu.dma_semaphore, #tpu.memory_space<semaphore_mem>>) src(%dma_wait3A_83 : memref<5120xf32, #tpu.memory_space<vmem>>) dst(%dma_wait3A_87 : memref<10240xf32, #tpu.memory_space<vmem_shared>>)
    %barrier3A_88 = arith.constant 0 : index
    tpu.barrier barrier_id(%barrier3A_88)
    "tpu.region"() ({
      %run_scoped3A = tpu.sem_alloc : memref<!tpu.dma_semaphore, #tpu.memory_space<semaphore_mem>>
      %dma_start3A_160 = tpu.memref_slice %arg14[%mul3A_0] : memref<10240xf32, #tpu.memory_space<vmem_shared>> -> memref<640xf32, #tpu.memory_space<vmem_shared>>
      %dma_start3A_161 = tpu.memref_slice %arg14[%mul3A_0] : memref<10240xf32, #tpu.memory_space<vmem_shared>> -> memref<640xf32, #tpu.memory_space<vmem_shared>>
      tpu.enqueue_dma source(%dma_start3A_161 : memref<640xf32, #tpu.memory_space<vmem_shared>>) target(%arg12 : memref<640xf32, #tpu.memory_space<vmem>>) target_semaphore(%run_scoped3A : memref<!tpu.dma_semaphore, #tpu.memory_space<semaphore_mem>>)
      %dma_wait3A_162 = tpu.memref_slice %arg14[%mul3A_0] : memref<10240xf32, #tpu.memory_space<vmem_shared>> -> memref<640xf32, #tpu.memory_space<vmem_shared>>
      %dma_wait3A_163 = tpu.memref_slice %arg14[%mul3A_0] : memref<10240xf32, #tpu.memory_space<vmem_shared>> -> memref<640xf32, #tpu.memory_space<vmem_shared>>
      tpu.wait_dma2 semaphore(%run_scoped3A : memref<!tpu.dma_semaphore, #tpu.memory_space<semaphore_mem>>) src(%dma_wait3A_163 : memref<640xf32, #tpu.memory_space<vmem_shared>>) dst(%arg12 : memref<640xf32, #tpu.memory_space<vmem>>)
      tpu.yield
    }) : () -> ()
    "tpu.region"() ({
      %run_scoped3A = tpu.sem_alloc : memref<!tpu.dma_semaphore, #tpu.memory_space<semaphore_mem>>
      %dma_start3A_160 = tpu.memref_slice %arg4[%mul3A_0] : memref<10240xf32, #tpu.memory_space<hbm>> -> memref<640xf32, #tpu.memory_space<hbm>>
      %dma_start3A_161 = tpu.memref_slice %arg4[%mul3A_0] : memref<10240xf32, #tpu.memory_space<hbm>> -> memref<640xf32, #tpu.memory_space<hbm>>
      tpu.enqueue_dma source(%arg12 : memref<640xf32, #tpu.memory_space<vmem>>) target(%dma_start3A_161 : memref<640xf32, #tpu.memory_space<hbm>>) target_semaphore(%run_scoped3A : memref<!tpu.dma_semaphore, #tpu.memory_space<semaphore_mem>>)
      %dma_wait3A_162 = tpu.memref_slice %arg4[%mul3A_0] : memref<10240xf32, #tpu.memory_space<hbm>> -> memref<640xf32, #tpu.memory_space<hbm>>
      %dma_wait3A_163 = tpu.memref_slice %arg4[%mul3A_0] : memref<10240xf32, #tpu.memory_space<hbm>> -> memref<640xf32, #tpu.memory_space<hbm>>
      tpu.wait_dma2 semaphore(%run_scoped3A : memref<!tpu.dma_semaphore, #tpu.memory_space<semaphore_mem>>) src(%arg12 : memref<640xf32, #tpu.memory_space<vmem>>) dst(%dma_wait3A_163 : memref<640xf32, #tpu.memory_space<hbm>>)
      tpu.yield
    }) : () -> ()
    %parallel_loop3A_89 = arith.constant 0 : i32
    %parallel_loop3A_90 = arith.constant 640 : i32
    %parallel_loop3A_91 = arith.constant 16 : i32
    scf.for %parallel_loop3A_160 = %parallel_loop3A_89 to %parallel_loop3A_90 step %parallel_loop3A_91  : i32 {
      %parallel_loop3A_161 = arith.index_cast %parallel_loop3A_160 : i32 to index
      %parallel_loop3A_162 = tpu.vector_load %arg12[%parallel_loop3A_161] {strides = array<i32>} : memref<640xf32, #tpu.memory_space<vmem>>, vector<16xf32>,
      %parallel_loop3A_163 = arith.constant -2.000000e+00 : f32
      %parallel_loop3A_164 = vector.broadcast %parallel_loop3A_163 : f32 to vector<16xf32>
      %parallel_loop3A_165 = arith.mulf %parallel_loop3A_164, %parallel_loop3A_162 : vector<16xf32>
      %parallel_loop3A_166 = arith.constant 640 : i32
      %parallel_loop3A_167 = arith.muli %arg1, %parallel_loop3A_166 : i32
      %parallel_loop3A_168 = arith.addi %parallel_loop3A_167, %parallel_loop3A_160 : i32
      %parallel_loop3A_169 = arith.index_cast %parallel_loop3A_168 : i32 to index
      %parallel_loop3A_170 = tpu.vector_load %arg10[%parallel_loop3A_169] {strides = array<i32>} : memref<10240xf32, #tpu.memory_space<vmem>>, vector<16xf32>,
      %parallel_loop3A_171 = arith.mulf %parallel_loop3A_165, %parallel_loop3A_170 : vector<16xf32>
      %parallel_loop3A_172 = arith.index_cast %parallel_loop3A_160 : i32 to index
      %parallel_loop3A_173 = tpu.vector_load %arg13[%parallel_loop3A_172] {strides = array<i32>} : memref<640xf32, #tpu.memory_space<vmem>>, vector<16xf32>,
      tpu.vector_store %arg13[%parallel_loop3A_172], %parallel_loop3A_171 {strides = array<i32>} : memref<640xf32, #tpu.memory_space<vmem>>, vector<16xf32>,
    } {sc.loop_unroll_factor = 4 : i64, sc.parallel_access}
    "tpu.region"() ({
      %run_scoped3A = tpu.sem_alloc : memref<!tpu.dma_semaphore, #tpu.memory_space<semaphore_mem>>
      %dma_start3A_160 = tpu.memref_slice %arg16[%mul3A_0] : memref<10240xf32, #tpu.memory_space<vmem_shared>> -> memref<640xf32, #tpu.memory_space<vmem_shared>>
      %dma_start3A_161 = tpu.memref_slice %arg16[%mul3A_0] : memref<10240xf32, #tpu.memory_space<vmem_shared>> -> memref<640xf32, #tpu.memory_space<vmem_shared>>
      tpu.enqueue_dma source(%arg13 : memref<640xf32, #tpu.memory_space<vmem>>) target(%dma_start3A_161 : memref<640xf32, #tpu.memory_space<vmem_shared>>) target_semaphore(%run_scoped3A : memref<!tpu.dma_semaphore, #tpu.memory_space<semaphore_mem>>)
      %dma_wait3A_162 = tpu.memref_slice %arg16[%mul3A_0] : memref<10240xf32, #tpu.memory_space<vmem_shared>> -> memref<640xf32, #tpu.memory_space<vmem_shared>>
      %dma_wait3A_163 = tpu.memref_slice %arg16[%mul3A_0] : memref<10240xf32, #tpu.memory_space<vmem_shared>> -> memref<640xf32, #tpu.memory_space<vmem_shared>>
      tpu.wait_dma2 semaphore(%run_scoped3A : memref<!tpu.dma_semaphore, #tpu.memory_space<semaphore_mem>>) src(%arg13 : memref<640xf32, #tpu.memory_space<vmem>>) dst(%dma_wait3A_163 : memref<640xf32, #tpu.memory_space<vmem_shared>>)
      tpu.yield
    }) : () -> ()
    %parallel_loop3A_92 = arith.constant 0 : i32
    %parallel_loop3A_93 = arith.constant 640 : i32
    %parallel_loop3A_94 = arith.constant 16 : i32
    scf.for %parallel_loop3A_160 = %parallel_loop3A_92 to %parallel_loop3A_93 step %parallel_loop3A_94  : i32 {
      %parallel_loop3A_161 = arith.constant 0.000000e+00 : f32
      %parallel_loop3A_162 = vector.broadcast %parallel_loop3A_161 : f32 to vector<16xf32>
      %parallel_loop3A_163 = arith.index_cast %parallel_loop3A_160 : i32 to index
      %parallel_loop3A_164 = tpu.vector_load %arg12[%parallel_loop3A_163] {strides = array<i32>} : memref<640xf32, #tpu.memory_space<vmem>>, vector<16xf32>,
      tpu.vector_store %arg12[%parallel_loop3A_163], %parallel_loop3A_162 {strides = array<i32>} : memref<640xf32, #tpu.memory_space<vmem>>, vector<16xf32>,
    } {sc.loop_unroll_factor = 8 : i64, sc.parallel_access}
    "tpu.region"() ({
      %run_scoped3A = tpu.sem_alloc : memref<!tpu.dma_semaphore, #tpu.memory_space<semaphore_mem>>
      %dma_start3A_160 = tpu.memref_slice %arg15[%mul3A_0] : memref<10240xf32, #tpu.memory_space<vmem_shared>> -> memref<640xf32, #tpu.memory_space<vmem_shared>>
      %dma_start3A_161 = tpu.memref_slice %arg15[%mul3A_0] : memref<10240xf32, #tpu.memory_space<vmem_shared>> -> memref<640xf32, #tpu.memory_space<vmem_shared>>
      tpu.enqueue_dma source(%arg12 : memref<640xf32, #tpu.memory_space<vmem>>) target(%dma_start3A_161 : memref<640xf32, #tpu.memory_space<vmem_shared>>) target_semaphore(%run_scoped3A : memref<!tpu.dma_semaphore, #tpu.memory_space<semaphore_mem>>)
      %dma_wait3A_162 = tpu.memref_slice %arg15[%mul3A_0] : memref<10240xf32, #tpu.memory_space<vmem_shared>> -> memref<640xf32, #tpu.memory_space<vmem_shared>>
      %dma_wait3A_163 = tpu.memref_slice %arg15[%mul3A_0] : memref<10240xf32, #tpu.memory_space<vmem_shared>> -> memref<640xf32, #tpu.memory_space<vmem_shared>>
      tpu.wait_dma2 semaphore(%run_scoped3A : memref<!tpu.dma_semaphore, #tpu.memory_space<semaphore_mem>>) src(%arg12 : memref<640xf32, #tpu.memory_space<vmem>>) dst(%dma_wait3A_163 : memref<640xf32, #tpu.memory_space<vmem_shared>>)
      tpu.yield
    }) : () -> ()
    %barrier3A_95 = arith.constant 0 : index
    tpu.barrier barrier_id(%barrier3A_95)
    "tpu.region"() ({
      %run_scoped3A = tpu.sem_alloc : memref<!tpu.dma_semaphore, #tpu.memory_space<semaphore_mem>>
      tpu.enqueue_dma source(%arg16 : memref<10240xf32, #tpu.memory_space<vmem_shared>>) target(%arg11 : memref<10240xf32, #tpu.memory_space<vmem>>) target_semaphore(%run_scoped3A : memref<!tpu.dma_semaphore, #tpu.memory_space<semaphore_mem>>)
      tpu.wait_dma2 semaphore(%run_scoped3A : memref<!tpu.dma_semaphore, #tpu.memory_space<semaphore_mem>>) src(%arg16 : memref<10240xf32, #tpu.memory_space<vmem_shared>>) dst(%arg11 : memref<10240xf32, #tpu.memory_space<vmem>>)
      tpu.yield
    }) : () -> ()
    %parallel_loop3A_96 = arith.constant 0 : i32
    %parallel_loop3A_97 = arith.constant 5120 : i32
    %parallel_loop3A_98 = arith.constant 16 : i32
    scf.for %parallel_loop3A_160 = %parallel_loop3A_96 to %parallel_loop3A_97 step %parallel_loop3A_98  : i32 {
      %parallel_loop3A_161 = arith.index_cast %parallel_loop3A_160 : i32 to index
      %parallel_loop3A_162 = tpu.vector_load %arg6[%parallel_loop3A_161] {strides = array<i32>} : memref<20480xi32, #tpu.memory_space<vmem>>, vector<16xi32>,
      %parallel_loop3A_163 = tpu.vector_load_idx %arg11[%parallel_loop3A_162] : memref<10240xf32, #tpu.memory_space<vmem>>[vector<16xi32>], vector<16xf32>,
      %parallel_loop3A_164 = arith.index_cast %parallel_loop3A_160 : i32 to index
      %parallel_loop3A_165 = tpu.vector_load %arg7[%parallel_loop3A_164] {strides = array<i32>} : memref<20480xi32, #tpu.memory_space<vmem>>, vector<16xi32>,
      %parallel_loop3A_166 = tpu.vector_load_idx %arg10[%parallel_loop3A_165] : memref<10240xf32, #tpu.memory_space<vmem>>[vector<16xi32>], vector<16xf32>,
      %parallel_loop3A_167 = arith.mulf %parallel_loop3A_163, %parallel_loop3A_166 : vector<16xf32>
      %parallel_loop3A_168 = arith.index_cast %parallel_loop3A_160 : i32 to index
      %parallel_loop3A_169 = tpu.vector_load %arg8[%parallel_loop3A_168] {strides = array<i32>} : memref<20480xf32, #tpu.memory_space<vmem>>, vector<16xf32>,
      tpu.vector_store %arg8[%parallel_loop3A_168], %parallel_loop3A_167 {strides = array<i32>} : memref<20480xf32, #tpu.memory_space<vmem>>, vector<16xf32>,
    } {sc.loop_unroll_factor = 8 : i64, sc.parallel_access}
    %dma_start3A_99 = arith.constant 0 : i32
    %dma_start3A_100 = tpu.memref_slice %arg8[%dma_start3A_99] : memref<20480xf32, #tpu.memory_space<vmem>> -> memref<5120xf32, #tpu.memory_space<vmem>>
    %dma_start3A_101 = arith.constant 0 : i32
    %dma_start3A_102 = tpu.memref_slice %arg7[%dma_start3A_101] : memref<20480xi32, #tpu.memory_space<vmem>> -> memref<5120xi32, #tpu.memory_space<vmem>>
    %dma_start3A_103 = arith.constant 0 : i32
    %dma_start3A_104 = tpu.memref_slice %arg15[%dma_start3A_103] : memref<10240xf32, #tpu.memory_space<vmem_shared>> -> memref<10240xf32, #tpu.memory_space<vmem_shared>>
    tpu.enqueue_indirect_dma source(%dma_start3A_100 : memref<5120xf32, #tpu.memory_space<vmem>>) target(%dma_start3A_104 : memref<10240xf32, #tpu.memory_space<vmem_shared>>) offsets(%dma_start3A_102 : memref<5120xi32, #tpu.memory_space<vmem>>) semaphore(%arg17 : memref<!tpu.dma_semaphore, #tpu.memory_space<semaphore_mem>>) {add = true}
    %parallel_loop3A_105 = arith.constant 5120 : i32
    %parallel_loop3A_106 = arith.constant 10240 : i32
    %parallel_loop3A_107 = arith.constant 16 : i32
    scf.for %parallel_loop3A_160 = %parallel_loop3A_105 to %parallel_loop3A_106 step %parallel_loop3A_107  : i32 {
      %parallel_loop3A_161 = arith.index_cast %parallel_loop3A_160 : i32 to index
      %parallel_loop3A_162 = tpu.vector_load %arg6[%parallel_loop3A_161] {strides = array<i32>} : memref<20480xi32, #tpu.memory_space<vmem>>, vector<16xi32>,
      %parallel_loop3A_163 = tpu.vector_load_idx %arg11[%parallel_loop3A_162] : memref<10240xf32, #tpu.memory_space<vmem>>[vector<16xi32>], vector<16xf32>,
      %parallel_loop3A_164 = arith.index_cast %parallel_loop3A_160 : i32 to index
      %parallel_loop3A_165 = tpu.vector_load %arg7[%parallel_loop3A_164] {strides = array<i32>} : memref<20480xi32, #tpu.memory_space<vmem>>, vector<16xi32>,
      %parallel_loop3A_166 = tpu.vector_load_idx %arg10[%parallel_loop3A_165] : memref<10240xf32, #tpu.memory_space<vmem>>[vector<16xi32>], vector<16xf32>,
      %parallel_loop3A_167 = arith.mulf %parallel_loop3A_163, %parallel_loop3A_166 : vector<16xf32>
      %parallel_loop3A_168 = arith.index_cast %parallel_loop3A_160 : i32 to index
      %parallel_loop3A_169 = tpu.vector_load %arg8[%parallel_loop3A_168] {strides = array<i32>} : memref<20480xf32, #tpu.memory_space<vmem>>, vector<16xf32>,
      tpu.vector_store %arg8[%parallel_loop3A_168], %parallel_loop3A_167 {strides = array<i32>} : memref<20480xf32, #tpu.memory_space<vmem>>, vector<16xf32>,
    } {sc.loop_unroll_factor = 8 : i64, sc.parallel_access}
    %dma_start3A_108 = arith.constant 5120 : i32
    %dma_start3A_109 = tpu.memref_slice %arg8[%dma_start3A_108] : memref<20480xf32, #tpu.memory_space<vmem>> -> memref<5120xf32, #tpu.memory_space<vmem>>
    %dma_start3A_110 = arith.constant 5120 : i32
    %dma_start3A_111 = tpu.memref_slice %arg7[%dma_start3A_110] : memref<20480xi32, #tpu.memory_space<vmem>> -> memref<5120xi32, #tpu.memory_space<vmem>>
    %dma_start3A_112 = arith.constant 0 : i32
    %dma_start3A_113 = tpu.memref_slice %arg15[%dma_start3A_112] : memref<10240xf32, #tpu.memory_space<vmem_shared>> -> memref<10240xf32, #tpu.memory_space<vmem_shared>>
    tpu.enqueue_indirect_dma source(%dma_start3A_109 : memref<5120xf32, #tpu.memory_space<vmem>>) target(%dma_start3A_113 : memref<10240xf32, #tpu.memory_space<vmem_shared>>) offsets(%dma_start3A_111 : memref<5120xi32, #tpu.memory_space<vmem>>) semaphore(%arg17 : memref<!tpu.dma_semaphore, #tpu.memory_space<semaphore_mem>>) {add = true}
    %parallel_loop3A_114 = arith.constant 10240 : i32
    %parallel_loop3A_115 = arith.constant 15360 : i32
    %parallel_loop3A_116 = arith.constant 16 : i32
    scf.for %parallel_loop3A_160 = %parallel_loop3A_114 to %parallel_loop3A_115 step %parallel_loop3A_116  : i32 {
      %parallel_loop3A_161 = arith.index_cast %parallel_loop3A_160 : i32 to index
      %parallel_loop3A_162 = tpu.vector_load %arg6[%parallel_loop3A_161] {strides = array<i32>} : memref<20480xi32, #tpu.memory_space<vmem>>, vector<16xi32>,
      %parallel_loop3A_163 = tpu.vector_load_idx %arg11[%parallel_loop3A_162] : memref<10240xf32, #tpu.memory_space<vmem>>[vector<16xi32>], vector<16xf32>,
      %parallel_loop3A_164 = arith.index_cast %parallel_loop3A_160 : i32 to index
      %parallel_loop3A_165 = tpu.vector_load %arg7[%parallel_loop3A_164] {strides = array<i32>} : memref<20480xi32, #tpu.memory_space<vmem>>, vector<16xi32>,
      %parallel_loop3A_166 = tpu.vector_load_idx %arg10[%parallel_loop3A_165] : memref<10240xf32, #tpu.memory_space<vmem>>[vector<16xi32>], vector<16xf32>,
      %parallel_loop3A_167 = arith.mulf %parallel_loop3A_163, %parallel_loop3A_166 : vector<16xf32>
      %parallel_loop3A_168 = arith.index_cast %parallel_loop3A_160 : i32 to index
      %parallel_loop3A_169 = tpu.vector_load %arg8[%parallel_loop3A_168] {strides = array<i32>} : memref<20480xf32, #tpu.memory_space<vmem>>, vector<16xf32>,
      tpu.vector_store %arg8[%parallel_loop3A_168], %parallel_loop3A_167 {strides = array<i32>} : memref<20480xf32, #tpu.memory_space<vmem>>, vector<16xf32>,
    } {sc.loop_unroll_factor = 8 : i64, sc.parallel_access}
    %dma_start3A_117 = arith.constant 10240 : i32
    %dma_start3A_118 = tpu.memref_slice %arg8[%dma_start3A_117] : memref<20480xf32, #tpu.memory_space<vmem>> -> memref<5120xf32, #tpu.memory_space<vmem>>
    %dma_start3A_119 = arith.constant 10240 : i32
    %dma_start3A_120 = tpu.memref_slice %arg7[%dma_start3A_119] : memref<20480xi32, #tpu.memory_space<vmem>> -> memref<5120xi32, #tpu.memory_space<vmem>>
    %dma_start3A_121 = arith.constant 0 : i32
    %dma_start3A_122 = tpu.memref_slice %arg15[%dma_start3A_121] : memref<10240xf32, #tpu.memory_space<vmem_shared>> -> memref<10240xf32, #tpu.memory_space<vmem_shared>>
    tpu.enqueue_indirect_dma source(%dma_start3A_118 : memref<5120xf32, #tpu.memory_space<vmem>>) target(%dma_start3A_122 : memref<10240xf32, #tpu.memory_space<vmem_shared>>) offsets(%dma_start3A_120 : memref<5120xi32, #tpu.memory_space<vmem>>) semaphore(%arg17 : memref<!tpu.dma_semaphore, #tpu.memory_space<semaphore_mem>>) {add = true}
    %parallel_loop3A_123 = arith.constant 15360 : i32
    %parallel_loop3A_124 = arith.constant 20480 : i32
    %parallel_loop3A_125 = arith.constant 16 : i32
    scf.for %parallel_loop3A_160 = %parallel_loop3A_123 to %parallel_loop3A_124 step %parallel_loop3A_125  : i32 {
      %parallel_loop3A_161 = arith.index_cast %parallel_loop3A_160 : i32 to index
      %parallel_loop3A_162 = tpu.vector_load %arg6[%parallel_loop3A_161] {strides = array<i32>} : memref<20480xi32, #tpu.memory_space<vmem>>, vector<16xi32>,
      %parallel_loop3A_163 = tpu.vector_load_idx %arg11[%parallel_loop3A_162] : memref<10240xf32, #tpu.memory_space<vmem>>[vector<16xi32>], vector<16xf32>,
      %parallel_loop3A_164 = arith.index_cast %parallel_loop3A_160 : i32 to index
      %parallel_loop3A_165 = tpu.vector_load %arg7[%parallel_loop3A_164] {strides = array<i32>} : memref<20480xi32, #tpu.memory_space<vmem>>, vector<16xi32>,
      %parallel_loop3A_166 = tpu.vector_load_idx %arg10[%parallel_loop3A_165] : memref<10240xf32, #tpu.memory_space<vmem>>[vector<16xi32>], vector<16xf32>,
      %parallel_loop3A_167 = arith.mulf %parallel_loop3A_163, %parallel_loop3A_166 : vector<16xf32>
      %parallel_loop3A_168 = arith.index_cast %parallel_loop3A_160 : i32 to index
      %parallel_loop3A_169 = tpu.vector_load %arg8[%parallel_loop3A_168] {strides = array<i32>} : memref<20480xf32, #tpu.memory_space<vmem>>, vector<16xf32>,
      tpu.vector_store %arg8[%parallel_loop3A_168], %parallel_loop3A_167 {strides = array<i32>} : memref<20480xf32, #tpu.memory_space<vmem>>, vector<16xf32>,
    } {sc.loop_unroll_factor = 8 : i64, sc.parallel_access}
    %dma_start3A_126 = arith.constant 15360 : i32
    %dma_start3A_127 = tpu.memref_slice %arg8[%dma_start3A_126] : memref<20480xf32, #tpu.memory_space<vmem>> -> memref<5120xf32, #tpu.memory_space<vmem>>
    %dma_start3A_128 = arith.constant 15360 : i32
    %dma_start3A_129 = tpu.memref_slice %arg7[%dma_start3A_128] : memref<20480xi32, #tpu.memory_space<vmem>> -> memref<5120xi32, #tpu.memory_space<vmem>>
    %dma_start3A_130 = arith.constant 0 : i32
    %dma_start3A_131 = tpu.memref_slice %arg15[%dma_start3A_130] : memref<10240xf32, #tpu.memory_space<vmem_shared>> -> memref<10240xf32, #tpu.memory_space<vmem_shared>>
    tpu.enqueue_indirect_dma source(%dma_start3A_127 : memref<5120xf32, #tpu.memory_space<vmem>>) target(%dma_start3A_131 : memref<10240xf32, #tpu.memory_space<vmem_shared>>) offsets(%dma_start3A_129 : memref<5120xi32, #tpu.memory_space<vmem>>) semaphore(%arg17 : memref<!tpu.dma_semaphore, #tpu.memory_space<semaphore_mem>>) {add = true}
    %dma_wait3A_132 = arith.constant 0 : i32
    %dma_wait3A_133 = tpu.memref_slice %arg8[%dma_wait3A_132] : memref<20480xf32, #tpu.memory_space<vmem>> -> memref<5120xf32, #tpu.memory_space<vmem>>
    %dma_wait3A_134 = arith.constant 0 : i32
    %dma_wait3A_135 = tpu.memref_slice %arg7[%dma_wait3A_134] : memref<20480xi32, #tpu.memory_space<vmem>> -> memref<5120xi32, #tpu.memory_space<vmem>>
    %dma_wait3A_136 = arith.constant 0 : i32
    %dma_wait3A_137 = tpu.memref_slice %arg15[%dma_wait3A_136] : memref<10240xf32, #tpu.memory_space<vmem_shared>> -> memref<10240xf32, #tpu.memory_space<vmem_shared>>
    tpu.wait_indirect_dma semaphore(%arg17 : memref<!tpu.dma_semaphore, #tpu.memory_space<semaphore_mem>>) src(%dma_wait3A_133 : memref<5120xf32, #tpu.memory_space<vmem>>) dst(%dma_wait3A_137 : memref<10240xf32, #tpu.memory_space<vmem_shared>>)
    %dma_wait3A_138 = arith.constant 5120 : i32
    %dma_wait3A_139 = tpu.memref_slice %arg8[%dma_wait3A_138] : memref<20480xf32, #tpu.memory_space<vmem>> -> memref<5120xf32, #tpu.memory_space<vmem>>
    %dma_wait3A_140 = arith.constant 5120 : i32
    %dma_wait3A_141 = tpu.memref_slice %arg7[%dma_wait3A_140] : memref<20480xi32, #tpu.memory_space<vmem>> -> memref<5120xi32, #tpu.memory_space<vmem>>
    %dma_wait3A_142 = arith.constant 0 : i32
    %dma_wait3A_143 = tpu.memref_slice %arg15[%dma_wait3A_142] : memref<10240xf32, #tpu.memory_space<vmem_shared>> -> memref<10240xf32, #tpu.memory_space<vmem_shared>>
    tpu.wait_indirect_dma semaphore(%arg17 : memref<!tpu.dma_semaphore, #tpu.memory_space<semaphore_mem>>) src(%dma_wait3A_139 : memref<5120xf32, #tpu.memory_space<vmem>>) dst(%dma_wait3A_143 : memref<10240xf32, #tpu.memory_space<vmem_shared>>)
    %dma_wait3A_144 = arith.constant 10240 : i32
    %dma_wait3A_145 = tpu.memref_slice %arg8[%dma_wait3A_144] : memref<20480xf32, #tpu.memory_space<vmem>> -> memref<5120xf32, #tpu.memory_space<vmem>>
    %dma_wait3A_146 = arith.constant 10240 : i32
    %dma_wait3A_147 = tpu.memref_slice %arg7[%dma_wait3A_146] : memref<20480xi32, #tpu.memory_space<vmem>> -> memref<5120xi32, #tpu.memory_space<vmem>>
    %dma_wait3A_148 = arith.constant 0 : i32
    %dma_wait3A_149 = tpu.memref_slice %arg15[%dma_wait3A_148] : memref<10240xf32, #tpu.memory_space<vmem_shared>> -> memref<10240xf32, #tpu.memory_space<vmem_shared>>
    tpu.wait_indirect_dma semaphore(%arg17 : memref<!tpu.dma_semaphore, #tpu.memory_space<semaphore_mem>>) src(%dma_wait3A_145 : memref<5120xf32, #tpu.memory_space<vmem>>) dst(%dma_wait3A_149 : memref<10240xf32, #tpu.memory_space<vmem_shared>>)
    %dma_wait3A_150 = arith.constant 15360 : i32
    %dma_wait3A_151 = tpu.memref_slice %arg8[%dma_wait3A_150] : memref<20480xf32, #tpu.memory_space<vmem>> -> memref<5120xf32, #tpu.memory_space<vmem>>
    %dma_wait3A_152 = arith.constant 15360 : i32
    %dma_wait3A_153 = tpu.memref_slice %arg7[%dma_wait3A_152] : memref<20480xi32, #tpu.memory_space<vmem>> -> memref<5120xi32, #tpu.memory_space<vmem>>
    %dma_wait3A_154 = arith.constant 0 : i32
    %dma_wait3A_155 = tpu.memref_slice %arg15[%dma_wait3A_154] : memref<10240xf32, #tpu.memory_space<vmem_shared>> -> memref<10240xf32, #tpu.memory_space<vmem_shared>>
    tpu.wait_indirect_dma semaphore(%arg17 : memref<!tpu.dma_semaphore, #tpu.memory_space<semaphore_mem>>) src(%dma_wait3A_151 : memref<5120xf32, #tpu.memory_space<vmem>>) dst(%dma_wait3A_155 : memref<10240xf32, #tpu.memory_space<vmem_shared>>)
    %barrier3A_156 = arith.constant 0 : index
    tpu.barrier barrier_id(%barrier3A_156)
    "tpu.region"() ({
      %run_scoped3A = tpu.sem_alloc : memref<!tpu.dma_semaphore, #tpu.memory_space<semaphore_mem>>
      %dma_start3A_160 = tpu.memref_slice %arg15[%mul3A_0] : memref<10240xf32, #tpu.memory_space<vmem_shared>> -> memref<640xf32, #tpu.memory_space<vmem_shared>>
      %dma_start3A_161 = tpu.memref_slice %arg15[%mul3A_0] : memref<10240xf32, #tpu.memory_space<vmem_shared>> -> memref<640xf32, #tpu.memory_space<vmem_shared>>
      tpu.enqueue_dma source(%dma_start3A_161 : memref<640xf32, #tpu.memory_space<vmem_shared>>) target(%arg12 : memref<640xf32, #tpu.memory_space<vmem>>) target_semaphore(%run_scoped3A : memref<!tpu.dma_semaphore, #tpu.memory_space<semaphore_mem>>)
      %dma_wait3A_162 = tpu.memref_slice %arg15[%mul3A_0] : memref<10240xf32, #tpu.memory_space<vmem_shared>> -> memref<640xf32, #tpu.memory_space<vmem_shared>>
      %dma_wait3A_163 = tpu.memref_slice %arg15[%mul3A_0] : memref<10240xf32, #tpu.memory_space<vmem_shared>> -> memref<640xf32, #tpu.memory_space<vmem_shared>>
      tpu.wait_dma2 semaphore(%run_scoped3A : memref<!tpu.dma_semaphore, #tpu.memory_space<semaphore_mem>>) src(%dma_wait3A_163 : memref<640xf32, #tpu.memory_space<vmem_shared>>) dst(%arg12 : memref<640xf32, #tpu.memory_space<vmem>>)
      tpu.yield
    }) : () -> ()
    %parallel_loop3A_157 = arith.constant 0 : i32
    %parallel_loop3A_158 = arith.constant 640 : i32
    %parallel_loop3A_159 = arith.constant 16 : i32
    scf.for %parallel_loop3A_160 = %parallel_loop3A_157 to %parallel_loop3A_158 step %parallel_loop3A_159  : i32 {
      %parallel_loop3A_161 = arith.index_cast %parallel_loop3A_160 : i32 to index
      %parallel_loop3A_162 = tpu.vector_load %arg12[%parallel_loop3A_161] {strides = array<i32>} : memref<640xf32, #tpu.memory_space<vmem>>, vector<16xf32>,
      %parallel_loop3A_163 = arith.constant 640 : i32
      %parallel_loop3A_164 = arith.muli %arg1, %parallel_loop3A_163 : i32
      %parallel_loop3A_165 = arith.addi %parallel_loop3A_164, %parallel_loop3A_160 : i32
      %parallel_loop3A_166 = arith.index_cast %parallel_loop3A_165 : i32 to index
      %parallel_loop3A_167 = tpu.vector_load %arg9[%parallel_loop3A_166] {strides = array<i32>} : memref<10240xf32, #tpu.memory_space<vmem>>, vector<16xf32>,
      %parallel_loop3A_168 = arith.subf %parallel_loop3A_162, %parallel_loop3A_167 : vector<16xf32>
      %parallel_loop3A_169 = arith.index_cast %parallel_loop3A_160 : i32 to index
      %parallel_loop3A_170 = tpu.vector_load %arg12[%parallel_loop3A_169] {strides = array<i32>} : memref<640xf32, #tpu.memory_space<vmem>>, vector<16xf32>,
      tpu.vector_store %arg12[%parallel_loop3A_169], %parallel_loop3A_168 {strides = array<i32>} : memref<640xf32, #tpu.memory_space<vmem>>, vector<16xf32>,
    } {sc.loop_unroll_factor = 4 : i64, sc.parallel_access}
    "tpu.region"() ({
      %run_scoped3A = tpu.sem_alloc : memref<!tpu.dma_semaphore, #tpu.memory_space<semaphore_mem>>
      %dma_start3A_160 = tpu.memref_slice %arg5[%mul3A_0] : memref<10240xf32, #tpu.memory_space<hbm>> -> memref<640xf32, #tpu.memory_space<hbm>>
      %dma_start3A_161 = tpu.memref_slice %arg5[%mul3A_0] : memref<10240xf32, #tpu.memory_space<hbm>> -> memref<640xf32, #tpu.memory_space<hbm>>
      tpu.enqueue_dma source(%arg12 : memref<640xf32, #tpu.memory_space<vmem>>) target(%dma_start3A_161 : memref<640xf32, #tpu.memory_space<hbm>>) target_semaphore(%run_scoped3A : memref<!tpu.dma_semaphore, #tpu.memory_space<semaphore_mem>>)
      %dma_wait3A_162 = tpu.memref_slice %arg5[%mul3A_0] : memref<10240xf32, #tpu.memory_space<hbm>> -> memref<640xf32, #tpu.memory_space<hbm>>
      %dma_wait3A_163 = tpu.memref_slice %arg5[%mul3A_0] : memref<10240xf32, #tpu.memory_space<hbm>> -> memref<640xf32, #tpu.memory_space<hbm>>
      tpu.wait_dma2 semaphore(%run_scoped3A : memref<!tpu.dma_semaphore, #tpu.memory_space<semaphore_mem>>) src(%arg12 : memref<640xf32, #tpu.memory_space<vmem>>) dst(%dma_wait3A_163 : memref<640xf32, #tpu.memory_space<hbm>>)
      tpu.yield
    }) : () -> ()
    return
  }
}

module attributes {stable_mosaic.version = 14 : i64} {
  func.func @_tc_body(%arg0: i32, %arg1: memref<1000x8xf32, #tpu.memory_space<vmem>>, %arg2: memref<8x128000xf32, #tpu.memory_space<vmem>>, %arg3: memref<2x128000xf32, #tpu.memory_space<vmem>>, %arg4: memref<8x128xf32, #tpu.memory_space<vmem>>, %arg5: memref<1x128xf32, #tpu.memory_space<vmem>>, %arg6: memref<10x1xf32, #tpu.memory_space<vmem>>, %arg7: memref<10x1xf32, #tpu.memory_space<vmem>>, %arg8: memref<16x128xf32, #tpu.memory_space<vmem>>) attributes {dimension_semantics = [#tpu.dimension_semantics<arbitrary>], iteration_bounds = array<i64: 10>, scalar_prefetch = 0 : i64, scratch_operands = 1 : i64, tpu.core_type = #tpu.core_type<tc>, window_params = [{transform_indices = @transform_0, window_bounds = array<i64: 1000, 8>}, {transform_indices = @transform_1, window_bounds = array<i64: 8, 128000>}, {transform_indices = @transform_2, window_bounds = array<i64: 2, 128000>}, {pipeline_mode = #tpu.pipeline_mode<synchronous>, transform_indices = @transform_3, window_bounds = array<i64: 8, 128>}, {pipeline_mode = #tpu.pipeline_mode<synchronous>, transform_indices = @transform_4, window_bounds = array<i64: 1, 128>}, {pipeline_mode = #tpu.pipeline_mode<synchronous>, transform_indices = @transform_5, window_bounds = array<i64: 10, 1>}, {pipeline_mode = #tpu.pipeline_mode<synchronous>, transform_indices = @transform_6, window_bounds = array<i64: 10, 1>}]} {
    %eq3A = arith.constant 0 : i32
    %eq3A_0 = arith.cmpi eq, %arg0, %eq3A : i32
    %convert_element_type3A = arith.extui %eq3A_0 : i1 to i32
    %cond3A = arith.constant 0 : i32
    %cond3A_1 = arith.cmpi ne, %convert_element_type3A, %cond3A : i32
    scf.if %cond3A_1 {
      %broadcast_in_dim3A = arith.constant 0.000000e+00 : f32
      %broadcast_in_dim3A_42 = vector.broadcast %broadcast_in_dim3A : f32 to vector<16x128xf32>
      %swap3A_43 = arith.constant 0 : index
      %swap3A_44 = arith.constant 0 : index
      %swap3A_45 = vector.load %arg8[%swap3A_43, %swap3A_44] : memref<16x128xf32, #tpu.memory_space<vmem>>, vector<16x128xf32>
      tpu.vector_store %arg8[%swap3A_43, %swap3A_44], %broadcast_in_dim3A_42 {strides = array<i32>} : memref<16x128xf32, #tpu.memory_space<vmem>>, vector<16x128xf32>,
    } else {
    }
    %get3A = arith.constant 0 : index
    %get3A_2 = arith.constant 0 : index
    %get3A_3 = vector.load %arg1[%get3A, %get3A_2] : memref<1000x8xf32, #tpu.memory_space<vmem>>, vector<1000x8xf32>
    %get3A_4 = arith.constant 0 : index
    %get3A_5 = arith.constant 0 : index
    %get3A_6 = vector.load %arg4[%get3A_4, %get3A_5] : memref<8x128xf32, #tpu.memory_space<vmem>>, vector<8x128xf32>
    %dot_general3A = arith.constant dense<0.000000e+00> : vector<1000x128xf32>
    %dot_general3A_7 = tpu.matmul %get3A_3, %get3A_6, %dot_general3A {dimension_numbers = #tpu.dot_dimension_numbers<[1], [0], [0], [1], [0, 0, 1, 1], [], []>, transpose_lhs_hint = false} : vector<1000x8xf32>, vector<8x128xf32>, vector<1000x128xf32> -> vector<1000x128xf32>
    %get3A_8 = arith.constant 0 : index
    %get3A_9 = arith.constant 0 : index
    %get3A_10 = vector.load %arg5[%get3A_8, %get3A_9] : memref<1x128xf32, #tpu.memory_space<vmem>>, vector<1x128xf32>
    %add3A = vector.broadcast %get3A_10 : vector<1x128xf32> to vector<1000x128xf32>
    %add3A_11 = arith.addf %dot_general3A_7, %add3A : vector<1000x128xf32>
    %max3A = arith.constant 0.000000e+00 : f32
    %max3A_12 = vector.broadcast %max3A : f32 to vector<1000x128xf32>
    %max3A_13 = arith.maximumf %add3A_11, %max3A_12 : vector<1000x128xf32>
    %reshape3A = vector.shape_cast %max3A_13 : vector<1000x128xf32> to vector<1x128000xf32>
    %get3A_14 = arith.constant 0 : index
    %get3A_15 = arith.constant 0 : index
    %get3A_16 = vector.load %arg2[%get3A_14, %get3A_15] : memref<8x128000xf32, #tpu.memory_space<vmem>>, vector<8x128000xf32>
    %dot_general3A_17 = arith.constant dense<0.000000e+00> : vector<8x1xf32>
    %dot_general3A_18 = tpu.matmul %get3A_16, %reshape3A, %dot_general3A_17 {dimension_numbers = #tpu.dot_dimension_numbers<[1], [1], [0], [0], [0, 0, 1, 0], [], []>, transpose_lhs_hint = false} : vector<8x128000xf32>, vector<1x128000xf32>, vector<8x1xf32> -> vector<8x1xf32>
    %get3A_19 = arith.constant 0 : index
    %get3A_20 = arith.constant 0 : index
    %get3A_21 = vector.load %arg3[%get3A_19, %get3A_20] : memref<2x128000xf32, #tpu.memory_space<vmem>>, vector<2x128000xf32>
    %dot_general3A_22 = arith.constant dense<0.000000e+00> : vector<2x1xf32>
    %dot_general3A_23 = tpu.matmul %get3A_21, %reshape3A, %dot_general3A_22 {dimension_numbers = #tpu.dot_dimension_numbers<[1], [1], [0], [0], [0, 0, 1, 0], [], []>, transpose_lhs_hint = false} : vector<2x128000xf32>, vector<1x128000xf32>, vector<2x1xf32> -> vector<2x1xf32>
    %get3A_24 = arith.constant 0 : index
    %get3A_25 = arith.constant 0 : index
    %get3A_26 = vector.load %arg8[%get3A_24, %get3A_25] : memref<16x128xf32, #tpu.memory_space<vmem>>, vector<8x1xf32>
    %add3A_27 = arith.addf %get3A_26, %dot_general3A_18 : vector<8x1xf32>
    %swap3A = arith.constant 0 : index
    %swap3A_28 = arith.constant 0 : index
    %swap3A_29 = vector.load %arg8[%swap3A, %swap3A_28] : memref<16x128xf32, #tpu.memory_space<vmem>>, vector<8x1xf32>
    tpu.vector_store %arg8[%swap3A, %swap3A_28], %add3A_27 {strides = array<i32>} : memref<16x128xf32, #tpu.memory_space<vmem>>, vector<8x1xf32>,
    %get3A_30 = arith.constant 8 : index
    %get3A_31 = arith.constant 0 : index
    %get3A_32 = vector.load %arg8[%get3A_30, %get3A_31] : memref<16x128xf32, #tpu.memory_space<vmem>>, vector<2x1xf32>
    %add3A_33 = arith.addf %get3A_32, %dot_general3A_23 : vector<2x1xf32>
    %swap3A_34 = arith.constant 8 : index
    %swap3A_35 = arith.constant 0 : index
    %swap3A_36 = vector.load %arg8[%swap3A_34, %swap3A_35] : memref<16x128xf32, #tpu.memory_space<vmem>>, vector<2x1xf32>
    tpu.vector_store %arg8[%swap3A_34, %swap3A_35], %add3A_33 {strides = array<i32>} : memref<16x128xf32, #tpu.memory_space<vmem>>, vector<2x1xf32>,
    %eq3A_37 = arith.constant 9 : i32
    %eq3A_38 = arith.cmpi eq, %arg0, %eq3A_37 : i32
    %convert_element_type3A_39 = arith.extui %eq3A_38 : i1 to i32
    %cond3A_40 = arith.constant 0 : i32
    %cond3A_41 = arith.cmpi ne, %convert_element_type3A_39, %cond3A_40 : i32
    scf.if %cond3A_41 {
      %get3A_42 = arith.constant 0 : index
      %get3A_43 = arith.constant 0 : index
      %get3A_44 = vector.load %arg8[%get3A_42, %get3A_43] : memref<16x128xf32, #tpu.memory_space<vmem>>, vector<10x1xf32>
      %get3A_45 = arith.constant 0 : index
      %get3A_46 = arith.constant 0 : index
      %get3A_47 = vector.load %arg6[%get3A_45, %get3A_46] : memref<10x1xf32, #tpu.memory_space<vmem>>, vector<10x1xf32>
      %add3A_48 = arith.addf %get3A_44, %get3A_47 : vector<10x1xf32>
      %reduce_max3A = arith.constant dense<0xFF800000> : vector<1xf32>
      %reduce_max3A_49 = vector.multi_reduction <maximumf>, %add3A_48, %reduce_max3A [0] : vector<10x1xf32> to vector<1xf32>
      %broadcast_in_dim3A = vector.shape_cast %reduce_max3A_49 : vector<1xf32> to vector<1x1xf32>
      %sub3A = vector.broadcast %broadcast_in_dim3A : vector<1x1xf32> to vector<10x1xf32>
      %sub3A_50 = arith.subf %add3A_48, %sub3A : vector<10x1xf32>
      %exp3A = math.exp %sub3A_50 : vector<10x1xf32>
      %reduce_sum3A = arith.constant dense<0.000000e+00> : vector<1xf32>
      %reduce_sum3A_51 = vector.multi_reduction <add>, %exp3A, %reduce_sum3A [0] : vector<10x1xf32> to vector<1xf32>
      %broadcast_in_dim3A_52 = vector.shape_cast %reduce_sum3A_51 : vector<1xf32> to vector<1x1xf32>
      %log3A = math.log %broadcast_in_dim3A_52 : vector<1x1xf32>
      %sub3A_53 = vector.broadcast %log3A : vector<1x1xf32> to vector<10x1xf32>
      %sub3A_54 = arith.subf %sub3A_50, %sub3A_53 : vector<10x1xf32>
      %swap3A_55 = arith.constant 0 : index
      %swap3A_56 = arith.constant 0 : index
      %swap3A_57 = vector.load %arg7[%swap3A_55, %swap3A_56] : memref<10x1xf32, #tpu.memory_space<vmem>>, vector<10x1xf32>
      tpu.vector_store %arg7[%swap3A_55, %swap3A_56], %sub3A_54 {strides = array<i32>} : memref<10x1xf32, #tpu.memory_space<vmem>>, vector<10x1xf32>,
    } else {
    }
    return
  }
  func.func @transform_0(%arg0: i32) -> (i32, i32) {
    %c0_i32 = arith.constant 0 : i32
    %c0_i32_0 = arith.constant 0 : i32
    return %arg0, %c0_i32 : i32, i32
  }
  func.func @transform_1(%arg0: i32) -> (i32, i32) {
    %c0_i32 = arith.constant 0 : i32
    %c0_i32_0 = arith.constant 0 : i32
    return %c0_i32, %arg0 : i32, i32
  }
  func.func @transform_2(%arg0: i32) -> (i32, i32) {
    %c0_i32 = arith.constant 0 : i32
    %c0_i32_0 = arith.constant 0 : i32
    return %c0_i32, %arg0 : i32, i32
  }
  func.func @transform_3(%arg0: i32) -> (i32, i32) {
    %c0_i32 = arith.constant 0 : i32
    %c0_i32_0 = arith.constant 0 : i32
    %c0_i32_1 = arith.constant 0 : i32
    return %c0_i32, %c0_i32_0 : i32, i32
  }
  func.func @transform_4(%arg0: i32) -> (i32, i32) {
    %c0_i32 = arith.constant 0 : i32
    %c0_i32_0 = arith.constant 0 : i32
    %c0_i32_1 = arith.constant 0 : i32
    return %c0_i32, %c0_i32_0 : i32, i32
  }
  func.func @transform_5(%arg0: i32) -> (i32, i32) {
    %c0_i32 = arith.constant 0 : i32
    %c0_i32_0 = arith.constant 0 : i32
    %c0_i32_1 = arith.constant 0 : i32
    return %c0_i32, %c0_i32_0 : i32, i32
  }
  func.func @transform_6(%arg0: i32) -> (i32, i32) {
    %c0_i32 = arith.constant 0 : i32
    %c0_i32_0 = arith.constant 0 : i32
    %c0_i32_1 = arith.constant 0 : i32
    return %c0_i32, %c0_i32_0 : i32, i32
  }
}

</mosaic_0001>

<sc_bundles>
// kernel: kernel.4.cloned.1.call-start
scs
__scs_entry_jumppad:
0x0: {  	(pc) =	sbr.rel $0x88, $3  }
0x1: {  	(tag) =	ssettag $0x0;
	lr =	simm.s32 $0x1  }
0x2: {  	[smem:$0x3F9B] =	sst lr;
	_ =	strace $0xD0000000  }
0x3: {  	_ = 	snop  }
0x4: {  	_ = 	snop  }
0x5: {  	_ = 	snop  }
0x6: {  	_ = 	snop  }
0x7: {  	_ = 	snop  }
__scs_overlays_trampoline_lowered:
0x8: {  	[smem:$0x3FAA] =	sst s0  }
0x9: {  	[smem:$0x3FAB] =	sst s1  }
0xa: {  	[smem:$0x3FAC] =	sst s2  }
0xb: {  	[smem:$0x3FAD] =	sst s3  }
0xc: {  	[smem:$0x3FAE] =	sst s4  }
0xd: {  	[smem:$0x3FAF] =	sst s5  }
0xe: {  	[smem:$0x3FB0] =	sst s6  }
0xf: {  	[smem:$0x3FB1] =	sst s7  }
0x10: {  	[smem:$0x3FB2] =	sst s8  }
0x11: {  	[smem:$0x3FB3] =	sst s9;
	s0 =	simm.s32 @!p0 $0x0  }
0x12: {  	s1 =	sld [smem:$0x3F99];
	s0 =	simm.s32 @p0 $0x1  }
0x13: {  	[smem:$0x3FB4] =	sst s0;
	s0 =	simm.s32 @!p1 $0x0  }
0x14: {  	s2 =	sld [smem:$0x3F98];
	s0 =	simm.s32 @p1 $0x1  }
0x15: {  	[smem:$0x3FB5] =	sst s0;
	s0 =	simm.s32 @!p2 $0x0  }
0x16: {  	s3 =	sld [smem:$0x3FDB];
	s0 =	simm.s32 @p2 $0x1  }
0x17: {  	s4 =	simm.s32 $0x1BF5;
	[smem:$0x3FB7] =	sst s0  }
0x18: {  	s0 =	sld [smem:$0x3F9A];
	_ =	swait.ge [sflag:s4], $0x0  }
0x19: {  	s7 =	sld [smem:$0x3F9B]  }
0x1a: {  	s8 =	sadd.s32 $0xFFFFE003, lr  }
0x1b: {  	s9 =	sadd.s32 $0xFFFFFEF7, lr;
	s5 =	simm.s32 $0xFFFFFFFF;
	p2 =	slt.u32 s8, $0xFFFFF086  }
0x1c: {  	p1 =	slt.u32 s9, $0xF7A;
	s5 =	simm.s32 @!p2 $0x0  }
0x1d: {  	s5 =	simm.s32 @p1 $0x1;
	p0 =	seq.s32 s7, s2  }
0x1e: {  	s7 =	smul.u32 @!p0 $0xF7A, s2;
	p2 =	seq.s32 @!p0 s5, $0x0  }
0x1f: {  	s9 =	smul.u32 $0xF7A, s1;
	s8 =	simm.s32 @!p0 $0x1BF5;
	p2 =	por !p2, p0  }
0x20: {  	[sflag:s8] =	ssyncset.s32 @!p0 $0xFFFFF086;
	s6 =	sadd.s32 @!p0 s3, s7;
	s7 =	simm.s32 @!p0 $0x108  }
0x21: {  	s3 =	sadd.s32 s3, s9;
	s6 =	sadd.s32 @!p0 $0x88, s6;
	s7 =	simm.s32 @p2 $0x1082  }
0x22: {  	[simem:s7], [sflag:s8] =	dma.local @!p0 [hbm:s6], $0xF7A  }
0x23: {  	s9 =	sor.u32 $0xD0000000, s2;
	s6 =	simm.s32 $0x108;
	_ =	swait.ge @!p0 [sflag:s8], $0x0  }
0x24: {  	s3 =	sadd.s32 $0x88, s3;
	s6 =	simm.s32 @!p1 $0x1082;
	[sflag:s4] =	ssyncset.s32 $0xFFFFF086  }
0x25: {  	[simem:s6], [sflag:s4] =	dma.local [hbm:s3], $0xF7A  }
0x26: {  	[smem:$0x3F9B] =	sst s1;
	(tag) =	ssettag s2;
	_ =	strace s9  }
0x27: {  	s1 =	sld [smem:$0x3FAB]  }
0x28: {  	s2 =	sld [smem:$0x3FAC]  }
0x29: {  	s4 =	sld [smem:$0x3FAE]  }
0x2a: {  	p0 =	seq.s32 s5, $0x0;
	s5 =	sld [smem:$0x3FAF]  }
0x2b: {  	s6 =	sld [smem:$0x3FB0]  }
0x2c: {  	s7 =	sld [smem:$0x3FB1]  }
0x2d: {  	s3 =	simm.s32 $0x108;
	s8 =	sld [smem:$0x3FB2]  }
0x2e: {  	s3 =	simm.s32 @!p0 $0x1082;
	s9 =	sld [smem:$0x3FB3]  }
0x2f: {  	lr =	sadd.s32 s0, s3;
	s0 =	sld [smem:$0x3FAA]  }
0x30: {  	s3 =	sld [smem:$0x3FAD]  }
0x31: {  	[smem:$0x3FB6] =	sst s10  }
0x32: {  	s10 =	sld [smem:$0x3FB4];
	_ =	sdelay $0x3  }
0x33: {  	p0 =	seq.s32 s10, $0x1;
	s10 =	sld [smem:$0x3FB6];
	_ =	sdelay $0x3  }
0x34: {  	[smem:$0x3FB6] =	sst s10  }
0x35: {  	s10 =	sld [smem:$0x3FB5];
	_ =	sdelay $0x3  }
0x36: {  	p1 =	seq.s32 s10, $0x1;
	s10 =	sld [smem:$0x3FB6];
	_ =	sdelay $0x3  }
0x37: {  	[smem:$0x3FB6] =	sst s10  }
0x38: {  	s10 =	sld [smem:$0x3FB7]  }
0x39: {  	_ = 	snop;
	(pc) =	sbr.ind lr, $3  }
0x3a: {  	_ = 	snop  }
0x3b: {  	_ = 	snop  }
0x3c: {  	p2 =	seq.s32 s10, $0x1;
	s10 =	sld [smem:$0x3FB6]  }
0x3d: {  	_ =	shalt  }
0x3e: {  	_ =	shalt  }
0x3f: {  	_ =	shalt  }
0x40: {  	_ =	shalt  }
0x41: {  	_ =	shalt  }
0x42: {  	_ =	shalt  }
0x43: {  	_ =	shalt  }
0x44: {  	_ =	shalt  }
0x45: {  	_ =	shalt  }
0x46: {  	_ =	shalt  }
0x47: {  	_ =	shalt  }
0x48: {  	_ =	shalt  }
0x49: {  	_ =	shalt  }
0x4a: {  	_ =	shalt  }
0x4b: {  	_ =	shalt  }
0x4c: {  	_ =	shalt  }
0x4d: {  	_ =	shalt  }
0x4e: {  	_ =	shalt  }
0x4f: {  	_ =	shalt  }
0x50: {  	_ =	shalt  }
0x51: {  	_ =	shalt  }
0x52: {  	_ =	shalt  }
0x53: {  	_ =	shalt  }
0x54: {  	_ =	shalt  }
0x55: {  	_ =	shalt  }
0x56: {  	_ =	shalt  }
0x57: {  	_ =	shalt  }
0x58: {  	_ =	shalt  }
0x59: {  	_ =	shalt  }
0x5a: {  	_ =	shalt  }
0x5b: {  	_ =	shalt  }
0x5c: {  	_ =	shalt  }
0x5d: {  	_ =	shalt  }
0x5e: {  	_ =	shalt  }
0x5f: {  	_ =	shalt  }
0x60: {  	_ =	shalt  }
0x61: {  	_ =	shalt  }
0x62: {  	_ =	shalt  }
0x63: {  	_ =	shalt  }
0x64: {  	_ =	shalt  }
0x65: {  	_ =	shalt  }
0x66: {  	_ =	shalt  }
0x67: {  	_ =	shalt  }
0x68: {  	_ =	shalt  }
0x69: {  	_ =	shalt  }
0x6a: {  	_ =	shalt  }
0x6b: {  	_ =	shalt  }
0x6c: {  	_ =	shalt  }
0x6d: {  	_ =	shalt  }
0x6e: {  	_ =	shalt  }
0x6f: {  	_ =	shalt  }
0x70: {  	_ =	shalt  }
0x71: {  	_ =	shalt  }
0x72: {  	_ =	shalt  }
0x73: {  	_ =	shalt  }
0x74: {  	_ =	shalt  }
0x75: {  	_ =	shalt  }
0x76: {  	_ =	shalt  }
0x77: {  	_ =	shalt  }
0x78: {  	_ =	shalt  }
0x79: {  	_ =	shalt  }
0x7a: {  	_ =	shalt  }
0x7b: {  	_ =	shalt  }
0x7c: {  	_ =	shalt  }
0x7d: {  	_ =	shalt  }
0x7e: {  	_ =	shalt  }
0x7f: {  	_ =	shalt  }
0x80: {  	_ =	shalt  }
0x81: {  	_ =	shalt  }
0x82: {  	_ =	shalt  }
0x83: {  	_ =	shalt  }
0x84: {  	_ =	shalt  }
0x85: {  	_ =	shalt  }
0x86: {  	_ =	shalt  }
0x87: {  	_ =	shalt  }
.Lfunc_end0:
.L_simem_size_0:
called_computation_lowered:
.L_overlay_start_0:
0x88: {  	s0 =	sld [smem:$0x3FD9]  }
0x89: {  	s1 =	sld [smem:$0x3FFE];
	_ =	sdelay $0x3  }
0x8a: {  	s0 =	sadd.s32 s1, s0  }
0x8b: {  	[smem:$0x3FC2] =	sst s0  }
0x8c: {  	_ = 	snop  }
0x8d: {  	s0 =	sld [smem:$0x3FC8];
	(tm) =	ssettm $0x1  }
0x8e: {  	s16 =	sld [smem:$0x3FFB];
	_ =	sdelay $0x3  }
0x8f: {  	_ =	strace s16  }
0x90: {  	s1 =	sld [smem:$0x3FFC];
	_ =	sdelay $0x3  }
0x91: {  	_ =	strace s1  }
0x92: {  	s1 =	sld [smem:$0x3FFD];
	_ =	sdelay $0x3  }
0x93: {  	_ =	strace s1  }
0x94: {  	_ =	strace $0x8FFFFFFF  }
0x95: {  	s17 =	sld [smem:$0x3FDB];
	_ =	sdelay $0x1  }
0x96: {  	s2 =	simm.s32 $_scs_section_size  }
0x97: {  	s3 =	simm.s32 $_size__tile_overlayer_lowered;
	s4 =	simm.s32 $_tile_overlayer_lowered  }
0x98: {  	s20 =	simm.s32 $0x1BFF;
	s19 =	sshll.u32 s4, $0x1;
	s1 =	sadd.s32 s2, s17  }
0x99: {  	s5 =	simm.s32 $0x0;
	s18 =	sshll.u32 s3, $0x1;
	s3 =	sadd.s32 s19, s1  }
0x9a: {  	[timem:s5], [sflag:s20] =	dma.local [hbm:s3], s18  }
0x9b: {  	_ =	swait.ge [sflag:s20], s18  }
0x9c: {  	s2 =	ssub.s32 $0x0, s18;
	[sflag:s20] =	ssyncset.done $0x0  }
0x9d: {  	[sflag:s20] =	ssyncadd.s32 s2;
	_ =	sdelay $0x1  }
0x9e: {  	s21 =	simm.s32 $0x1B8B  }
0x9f: {  	_ =	swait.ge [sflag:s21], $0x1  }
0xa0: {  	[sflag:s21] =	ssyncset.done $0x0  }
0xa1: {  	s23 =	simm.s32 $0x1B8E;
	s22 =	sld [smem:$0x3FFE];
	[sflag:s21] =	ssyncadd.s32 $0xFFFFFFFF  }
0xa2: {  	s24 =	simm.s32 $execute0_lowered;
	[smem:$0x3FD2] =	sst s23  }
0xa3: {  	s3 =	sshll.u32 s24, $0x1;
	_ =	strace $0x80000046;
	[dreg:$0x1] =	wrdreg $0xFFFFFFFF  }
0xa4: {  	s25 =	simm.s32 $_size_execute0_lowered;
	s1 =	sadd.s32 s1, s3;
	[dreg:$0x0] =	wrdreg $0x0  }
0xa5: {  	s3 =	sshll.u32 s25, $0x1;
	[dreg:$0x2] =	wrdreg s1  }
0xa6: {  	[dreg:$0x3] =	wrdreg s3  }
0xa7: {  	[dreg:$0x4] =	wrdreg $0xC0  }
0xa8: {  	_ =	task [dreg:s5], $0x5FFFF  }
0xa9: {  	[dreg:$0x1] =	wrdreg $0xFFFFFFFF  }
0xaa: {  	[dreg:$0x0] =	wrdreg $0x60  }
0xab: {  	[dreg:$0x2] =	wrdreg s22  }
0xac: {  	[dreg:$0x3] =	wrdreg s0  }
0xad: {  	[dreg:$0x4] =	wrdreg $0x16D000  }
0xae: {  	[dreg:$0x5] =	wrdreg $0x16F800  }
0xaf: {  	[dreg:$0x6] =	wrdreg $0x172000  }
0xb0: {  	[dreg:$0x7] =	wrdreg $0x9  }
0xb1: {  	_ =	task.clear_ibuf [dreg:s5], $0x8FFFF;
	_ =	strace $0x90000046  }
0xb2: {  	s26 =	simm.s32 $0x9;
	_ =	strace $0x80000048  }
0xb3: {  	_ =	swait.ge [sflag:s26], $0x1  }
0xb4: {  	[sflag:s26] =	ssyncadd.s32 $0xFFFFFFFF  }
0xb5: {  	_ =	strace $0x90000048  }
0xb6: {  	_ =	sfence  }
0xb7: {  	s28 =	sld [smem:$0x0];
	_ =	sdelay $0x1  }
0xb8: {  	s29 =	srdreg.scid  }
0xb9: {  	s30 =	sshll.u32 s29, $0xD;
	s31 =	sshrl.u32 s29, $0x2  }
0xba: {  	s2 =	sand.u32 $0x4000, s30;
	s1 =	sand.u32 $0x1, s29;
	s0 =	sadd.s32 s31, s28  }
0xbb: {  	s1 =	sor.u32 s2, s1;
	s0 =	sshll.u32 s0, $0x11  }
0xbc: {  	s0 =	sor.u32 s0, s1  }
0xbd: {  	s0 =	sadd.s32 $0x8F2B, s0  }
0xbe: {  	[sflag:s0] =	ssyncadd.remote.s32 $0x1  }
0xbf: {  	_ =	sfence.sel $0xFFFF  }
0xc0: {  	[dreg:$0x0] =	wrdreg $0xFFFFFFFF;
	(pc) =	sbr.abs _section_cstart, $3  }
0xc1: {  	[dreg:$0x1] =	wrdreg $0xFFFFFFFF  }
0xc2: {  	_ =	task.clear_ibuf [dreg:s5], $0x2FFFF;
	_ =	strace $0x9FFFFFFF  }
0xc3: {  	(tm) =	ssettm $0x7FFFFFFF  }
tec
execute0_lowered:
.L_overlay_start_1:
0x0: {  	(tag) =	ssettag $0x1  }
0x1: {  	s2 =	rddreg [dreg:$0x0]  }
0x2: {  	s3 =	rddreg [dreg:$0x1]  }
0x3: {  	s8 =	rddreg [dreg:$0x2]  }
0x4: {  	s4 =	rddreg [dreg:$0x3]  }
0x5: {  	s6 =	rddreg [dreg:$0x4]  }
0x6: {  	s0 =	rddreg [dreg:$0x5];
	s5 =	simm.s32 $0x0;
	s1 =	stileid.u32  }
0x7: {  	[smem:$0x7FF] =	sst s5;
	p0 =	seq.s32 s1, $0xF  }
0x8: {  	_ =	strace $0x80000047;
	s7 =	sadd.s32 @p0 $0x12C00, s3;
	s9 =	simm.s32 @p0 $0x80  }
0x9: {  	s10 =	simm.s32 @p0 $0x100;
	s11 =	simm.s32 @p0 $0x0;
	s12 =	smul.u32 @!p0 $0x1400, s1  }
0xa: {  	[tilespmem:s11], [sflag:$0x1] =	stream.strided.gather @p0 [hbm4b:s7+s9], $0x3200, s10, s9, $0x38;
	[tilespmem:$0x17480] =	vst v63  }
0xb: {  	s7 =	sadd.s32 @p0 $0x12C10, s3;
	s11 =	simm.s32 @p0 $0x5000;
	s3 =	sadd.s32 @!p0 s3, s12  }
0xc: {  	[tilespmem:s11], [sflag:$0x1] =	stream.strided.gather @p0 [hbm4b:s7+s9], $0x3200, s10, s9, $0x38;
	[tilespmem:$0x17480] =	vst v63  }
0xd: {  	s7 =	simm.s32 @!p0 $0x80;
	s9 =	simm.s32 @!p0 $0x100;
	s10 =	simm.s32 @!p0 $0x0  }
0xe: {  	[tilespmem:s10], [sflag:$0x1] =	stream.strided.gather @!p0 [hbm4b:s3+s7], $0x5000, s9, s7, $0x38;
	[tilespmem:$0x17480] =	vst v63  }
0xf: {  	s3 =	sadd.s32 @!p0 $0x10, s3;
	s10 =	simm.s32 @!p0 $0x5000  }
0x10: {  	[tilespmem:s10], [sflag:$0x1] =	stream.strided.gather @!p0 [hbm4b:s3+s7], $0x5000, s9, s7, $0x38;
	[tilespmem:$0x17480] =	vst v63  }
0x11: {  	s30 =	simm.s32 $0xF000;
	s11 =	simm.s32 $0xA040  }
0x12: {  	v0 =	vimm.f32 $1.000000000e+00;
	[tilespmem:s30], [sflag:$0x1] =	stream.linear.gather [hbm4b:s2+s5], $0x2800, $0x38;
	[tilespmem:$0x17480] =	vst v63  }
0x13: {  	[tilespmem:s11+$0xFFFFFFC0] =	vst v0  }
0x14: {  	[tilespmem:s11+$0x30] =	vst v0  }
0x15: {  	s3 =	smul.u32 $0x280, s1;
	[tilespmem:s11+$0x20] =	vst v0  }
0x16: {  	[tilespmem:s11+$0x10] =	vst v0  }
0x17: {  	s12 =	simm.s32 $0x0;
	s31 =	sshrl.u32 s3, $0x3;
	[tilespmem:s11+$0x0] =	vst v0  }
0x18: {  	s10 =	sadd.s32 s3, s8;
	s5 =	sadd.s32 s3, s4;
	s2 =	sadd.s32 s31, s2;
	[tilespmem:s11+$0xFFFFFFF0] =	vst v0  }
0x19: {  	s7 =	sadd.s32 s3, s6;
	[tilespmem:s11+$0xFFFFFFE0] =	vst v0;
	s9 =	sadd.s32 $0x600, s2;
	s2 =	sadd.s32 $0xC00, s2  }
.LBB2_1:
0x1a: {  	s12 =	sadd.s32 $0x80, s12;
	[tilespmem:s11+$0xFFFFFFD0] =	vst v0;
	s11 =	sadd.s32 $0x80, s11  }
0x1b: {  	[tilespmem:s11+$0xFFFFFFC0] =	vst v0;
	p1 =	slt.u32 s12, $0x4F80  }
0x1c: {  	[tilespmem:s11+$0x30] =	vst v0  }
.Ltmp0:
0x1d: {  	[tilespmem:s11+$0x20] =	vst v0;
	(pc) =	sbr.rel @p1 .LBB2_1-.Ltmp0, $4  }
0x1e: {  	[tilespmem:s11+$0x10] =	vst v0  }
0x1f: {  	[tilespmem:s11+$0x0] =	vst v0  }
0x20: {  	[tilespmem:s11+$0xFFFFFFF0] =	vst v0  }
0x21: {  	[tilespmem:s11+$0xFFFFFFE0] =	vst v0  }
.Ltmp1:
0x22: {  	(pc) =	sbr.rel @!p0 .LBB2_3-.Ltmp1, $2  }
0x23: {  	_ =	sdelay $0x2  }
0x24: {  	[tilespmem:s11+$0xFFFFFFD0] =	vst v0  }
0x25: {  	v0 =	vlaneseq.u32;
	s11 =	simm.s32 $0x70  }
0x26: {  	s12 =	simm.s32 $0x10;
	v1 =	vor.u32 s11, v0  }
0x27: {  	s25 =	simm.s32 $0x1;
	v3 =	vor.u32 s12, v0;
	v2 =	vmulhi.u32 $0x88888889, v1  }
0x28: {  	s26 =	simm.s32 $0x20;
	_ =	swait.ge [sflag:s25], $0x3200;
	v4 =	vmulhi.u32 $0x88888889, v3  }
0x29: {  	v5 =	vor.u32 s26, v0;
	[sflag:s25] =	ssyncset.done $0x0;
	v2 =	vshrl.u32 v2, $0x7  }
0x2a: {  	v6 =	vmulhi.u32 $0x88888889, v5;
	[sflag:s25] =	ssyncadd.s32 $0xFFFFCE00;
	v4 =	vshrl.u32 v4, $0x7;
	v2 =	vmul.u32 $0xF0, v2  }
0x2b: {  	s28 =	simm.s32 $0x30;
	_ =	swait.ge [sflag:s25], $0x3200;
	v4 =	vmul.u32 $0xF0, v4  }
0x2c: {  	v7 =	vor.u32 s28, v0;
	[sflag:s25] =	ssyncset.done $0x0;
	v1 =	vsub.s32 v1, v2;
	v2 =	vshrl.u32 v6, $0x7  }
0x2d: {  	s13 =	simm.s32 $0x40;
	s12 =	simm.s32 $0x3270;
	[sflag:s25] =	ssyncadd.s32 $0xFFFFCE00;
	v6 =	vmulhi.u32 $0x88888889, v7;
	v3 =	vsub.s32 v3, v4;
	v1 =	vadd.s32 $0x2710, v1  }
0x2e: {  	v4 =	vor.u32 s13, v0;
	v2 =	vmul.u32 $0xF0, v2;
	v3 =	vadd.s32 $0x2710, v3;
	[tilespmem:s12+$0x0] =	vst v1  }
0x2f: {  	s29 =	simm.s32 $0x50;
	s11 =	simm.s32 $0x8270;
	v8 =	vmulhi.u32 $0x88888889, v4;
	v6 =	vshrl.u32 v6, $0x7;
	[tilespmem:s12+$0xFFFFFFA0] =	vst v3  }
0x30: {  	[tilespmem:s11+$0x0] =	vst v1;
	v1 =	vsub.s32 v5, v2;
	v2 =	vmul.u32 $0xF0, v6;
	v6 =	vor.u32 s29, v0  }
0x31: {  	s30 =	simm.s32 $0x60;
	[tilespmem:s11+$0xFFFFFFA0] =	vst v3;
	v3 =	vshrl.u32 v8, $0x7;
	v1 =	vadd.s32 $0x2710, v1;
	v5 =	vmulhi.u32 $0x88888889, v6  }
0x32: {  	[tilespmem:s12+$0xFFFFFFB0] =	vst v1;
	v2 =	vsub.s32 v7, v2;
	v7 =	vmul.u32 $0xF0, v3;
	v3 =	vor.u32 s30, v0  }
0x33: {  	s31 =	simm.s32 $0x0;
	[tilespmem:s11+$0xFFFFFFB0] =	vst v1;
	v2 =	vadd.s32 $0x2710, v2;
	v5 =	vshrl.u32 v5, $0x7;
	v8 =	vmulhi.u32 $0x88888889, v3  }
0x34: {  	v1 =	vor.u32 s31, v0;
	[tilespmem:s12+$0xFFFFFFC0] =	vst v2;
	v7 =	vsub.s32 v4, v7;
	v9 =	vmul.u32 $0xF0, v5  }
0x35: {  	s14 =	simm.s32 $0xF0;
	v4 =	vmulhi.u32 $0x88888889, v1;
	[tilespmem:s11+$0xFFFFFFC0] =	vst v2;
	v5 =	vadd.s32 $0x2710, v7;
	v8 =	vshrl.u32 v8, $0x7  }
0x36: {  	s13 =	simm.s32 $0x80;
	v2 =	vor.u32 s14, v0;
	s14 =	simm.s32 $0x100;
	[tilespmem:s12+$0xFFFFFFD0] =	vst v5;
	v7 =	vsub.s32 v6, v9;
	v6 =	vmul.u32 $0xF0, v8  }
.LBB2_5:
0x37: {  	p0 =	slt.u32 s14, $0x1D80;
	s15 =	sadd.s32 $0x10, s13;
	v8 =	vmulhi.u32 $0x88888889, v2;
	v4 =	vshrl.u32 v4, $0x7;
	[tilespmem:s11+$0xFFFFFFD0] =	vst v5;
	v5 =	vadd.s32 $0x2710, v7  }
0x38: {  	v7 =	vor.u32 s15, v0;
	v4 =	vmul.u32 $0xF0, v4;
	[tilespmem:s12+$0xFFFFFFE0] =	vst v5;
	v3 =	vsub.s32 v3, v6  }
0x39: {  	s15 =	sadd.s32 $0x20, s13;
	v6 =	vmulhi.u32 $0x88888889, v7;
	v8 =	vshrl.u32 v8, $0x7;
	[tilespmem:s11+$0xFFFFFFE0] =	vst v5;
	v3 =	vadd.s32 $0x2710, v3  }
0x3a: {  	v5 =	vor.u32 s15, v0;
	v8 =	vmul.u32 $0xF0, v8;
	v1 =	vsub.s32 v1, v4;
	[tilespmem:s12+$0xFFFFFFF0] =	vst v3  }
0x3b: {  	s15 =	sadd.s32 $0x30, s13;
	v4 =	vshrl.u32 v6, $0x7;
	v6 =	vmulhi.u32 $0x88888889, v5;
	v1 =	vadd.s32 $0x2710, v1;
	[tilespmem:s11+$0xFFFFFFF0] =	vst v3  }
0x3c: {  	v3 =	vmul.u32 $0xF0, v4;
	v4 =	vor.u32 s15, v0;
	v2 =	vsub.s32 v2, v8;
	[tilespmem:s12+$0xFFFFFF90] =	vst v1  }
0x3d: {  	s15 =	sadd.s32 $0x40, s13;
	s12 =	sadd.s32 $0x80, s12;
	v6 =	vshrl.u32 v6, $0x7;
	v8 =	vmulhi.u32 $0x88888889, v4;
	v2 =	vadd.s32 $0x2710, v2;
	[tilespmem:s11+$0xFFFFFF90] =	vst v1  }
0x3e: {  	s11 =	sadd.s32 $0x80, s11;
	v1 =	vsub.s32 v7, v3;
	v3 =	vmul.u32 $0xF0, v6;
	v6 =	vor.u32 s15, v0;
	[tilespmem:s12+$0x0] =	vst v2  }
0x3f: {  	s15 =	sadd.s32 $0x50, s13;
	v1 =	vadd.s32 $0x2710, v1;
	v7 =	vshrl.u32 v8, $0x7;
	v8 =	vmulhi.u32 $0x88888889, v6;
	[tilespmem:s11+$0x0] =	vst v2  }
0x40: {  	[tilespmem:s12+$0xFFFFFFA0] =	vst v1;
	v2 =	vsub.s32 v5, v3;
	v3 =	vmul.u32 $0xF0, v7;
	v7 =	vor.u32 s15, v0  }
0x41: {  	s15 =	sadd.s32 $0x60, s13;
	[tilespmem:s11+$0xFFFFFFA0] =	vst v1;
	v1 =	vadd.s32 $0x2710, v2;
	v2 =	vshrl.u32 v8, $0x7;
	v5 =	vmulhi.u32 $0x88888889, v7  }
.Ltmp2:
0x42: {  	[tilespmem:s12+$0xFFFFFFB0] =	vst v1;
	v4 =	vsub.s32 v4, v3;
	v2 =	vmul.u32 $0xF0, v2;
	v3 =	vor.u32 s15, v0;
	(pc) =	sbr.rel @p0 .LBB2_5-.Ltmp2, $4  }
0x43: {  	[tilespmem:s11+$0xFFFFFFB0] =	vst v1;
	v8 =	vadd.s32 $0x2710, v4;
	v4 =	vshrl.u32 v5, $0x7;
	v9 =	vmulhi.u32 $0x88888889, v3  }
0x44: {  	v1 =	vor.u32 s13, v0;
	s13 =	smov.u32 s14;
	[tilespmem:s12+$0xFFFFFFC0] =	vst v8;
	v2 =	vsub.s32 v6, v2;
	v6 =	vmul.u32 $0xF0, v4  }
0x45: {  	s15 =	sadd.s32 $0x70, s14;
	v4 =	vmulhi.u32 $0x88888889, v1;
	[tilespmem:s11+$0xFFFFFFC0] =	vst v8;
	v5 =	vadd.s32 $0x2710, v2;
	v8 =	vshrl.u32 v9, $0x7  }
0x46: {  	s14 =	sadd.s32 $0x80, s14;
	v2 =	vor.u32 s15, v0;
	[tilespmem:s12+$0xFFFFFFD0] =	vst v5;
	v7 =	vsub.s32 v7, v6;
	v6 =	vmul.u32 $0xF0, v8  }
0x47: {  	v8 =	vmulhi.u32 $0x88888889, v2  }
0x48: {  	s14 =	sadd.s32 $0x10, s13;
	v4 =	vshrl.u32 v4, $0x7;
	v31 =	vadd.s32 $0x2710, v7;
	v56 =	vor.u32 s13, v0  }
0x49: {  	s24 =	sadd.s32 $0x20, s13;
	s25 =	sadd.s32 $0x30, s13;
	s26 =	sadd.s32 $0x40, s13;
	v32 =	vor.u32 s14, v0;
	v4 =	vmul.u32 $0xF0, v4;
	v3 =	vsub.s32 v3, v6  }
0x4a: {  	[tilespmem:s11+$0xFFFFFFD0] =	vst v5;
	s30 =	sadd.s32 $0x50, s13;
	s31 =	sadd.s32 $0x60, s13;
	v34 =	vor.u32 s24, v0;
	v38 =	vor.u32 s25, v0;
	v43 =	vor.u32 s26, v0  }
0x4b: {  	[tilespmem:s12+$0xFFFFFFE0] =	vst v31;
	v48 =	vor.u32 s30, v0;
	v52 =	vor.u32 s31, v0;
	v57 =	vmulhi.u32 $0x88888889, v56  }
0x4c: {  	v33 =	vmulhi.u32 $0x88888889, v32;
	v8 =	vshrl.u32 v8, $0x7;
	[tilespmem:s11+$0xFFFFFFE0] =	vst v31;
	v3 =	vadd.s32 $0x2710, v3  }
0x4d: {  	v36 =	vmulhi.u32 $0x88888889, v34;
	v8 =	vmul.u32 $0xF0, v8;
	v1 =	vsub.s32 v1, v4;
	[tilespmem:s12+$0xFFFFFFF0] =	vst v3  }
0x4e: {  	v40 =	vmulhi.u32 $0x88888889, v38;
	v60 =	vshrl.u32 v57, $0x7;
	v1 =	vadd.s32 $0x2710, v1;
	[tilespmem:s11+$0xFFFFFFF0] =	vst v3  }
0x4f: {  	v35 =	vshrl.u32 v33, $0x7;
	v62 =	vmul.u32 $0xF0, v60;
	v39 =	vsub.s32 v2, v8;
	[tilespmem:s12+$0xFFFFFF90] =	vst v1  }
0x50: {  	s28 =	sadd.s32 $0x80, s12;
	v6 =	vshrl.u32 v36, $0x7;
	v37 =	vmul.u32 $0xF0, v35;
	v2 =	vadd.s32 $0x2710, v39;
	[tilespmem:s11+$0xFFFFFF90] =	vst v1  }
0x51: {  	s29 =	sadd.s32 $0x80, s11;
	v44 =	vshrl.u32 v40, $0x7;
	v42 =	vmul.u32 $0xF0, v6;
	v0 =	vsub.s32 v56, v62;
	[tilespmem:s28+$0x0] =	vst v2  }
0x52: {  	v47 =	vmul.u32 $0xF0, v44;
	v41 =	vsub.s32 v32, v37;
	v0 =	vadd.s32 $0x2710, v0;
	[tilespmem:s29+$0x0] =	vst v2  }
0x53: {  	v46 =	vsub.s32 v34, v42;
	v1 =	vadd.s32 $0x2710, v41;
	[tilespmem:s28+$0xFFFFFF90] =	vst v0  }
0x54: {  	v45 =	vmulhi.u32 $0x88888889, v43;
	v3 =	vsub.s32 v38, v47;
	v49 =	vadd.s32 $0x2710, v46;
	[tilespmem:s28+$0xFFFFFFA0] =	vst v1  }
0x55: {  	v51 =	vmulhi.u32 $0x88888889, v48;
	v53 =	vadd.s32 $0x2710, v3;
	[tilespmem:s28+$0xFFFFFFB0] =	vst v49  }
0x56: {  	v50 =	vshrl.u32 v45, $0x7;
	[tilespmem:s28+$0xFFFFFFC0] =	vst v53  }
0x57: {  	v54 =	vshrl.u32 v51, $0x7;
	v2 =	vmul.u32 $0xF0, v50;
	[tilespmem:s29+$0xFFFFFF90] =	vst v0  }
0x58: {  	v55 =	vmulhi.u32 $0x88888889, v52;
	v3 =	vmul.u32 $0xF0, v54;
	[tilespmem:s29+$0xFFFFFFA0] =	vst v1  }
0x59: {  	[tilespmem:s29+$0xFFFFFFB0] =	vst v49;
	v2 =	vsub.s32 v43, v2  }
0x5a: {  	v59 =	vshrl.u32 v55, $0x7;
	[tilespmem:s29+$0xFFFFFFC0] =	vst v53;
	v3 =	vsub.s32 v48, v3;
	v58 =	vadd.s32 $0x2710, v2  }
0x5b: {  	v2 =	vmul.u32 $0xF0, v59;
	v61 =	vadd.s32 $0x2710, v3;
	[tilespmem:s28+$0xFFFFFFD0] =	vst v58  }
.Ltmp3:
0x5c: {  	[tilespmem:s28+$0xFFFFFFE0] =	vst v61;
	(pc) =	sbr.rel .LBB2_7-.Ltmp3, $4  }
0x5d: {  	[tilespmem:s29+$0xFFFFFFD0] =	vst v58;
	v2 =	vsub.s32 v52, v2  }
0x5e: {  	[tilespmem:s29+$0xFFFFFFE0] =	vst v61;
	v63 =	vadd.s32 $0x2710, v2  }
0x5f: {  	[tilespmem:s28+$0xFFFFFFF0] =	vst v63  }
0x60: {  	[tilespmem:s29+$0xFFFFFFF0] =	vst v63  }
.LBB2_3:
0x61: {  	s11 =	simm.s32 $0x1  }
0x62: {  	_ =	swait.ge [sflag:s11], $0x5000  }
0x63: {  	[sflag:s11] =	ssyncset.done $0x0  }
0x64: {  	[sflag:s11] =	ssyncadd.s32 $0xFFFFB000  }
0x65: {  	_ =	swait.ge [sflag:s11], $0x5000  }
0x66: {  	[sflag:s11] =	ssyncset.done $0x0  }
0x67: {  	[sflag:s11] =	ssyncadd.s32 $0xFFFFB000  }
.LBB2_7:
0x68: {  	s11 =	simm.s32 $0x1  }
0x69: {  	_ =	swait.ge [sflag:s11], $0x2800  }
0x6a: {  	[sflag:s11] =	ssyncset.done $0x0  }
0x6b: {  	v0 =	vimm.f32 $0.0e+00;
	[sflag:s11] =	ssyncadd.s32 $0xFFFFD800;
	s11 =	simm.s32 $0x16840  }
0x6c: {  	[tilespmem:s11+$0xFFFFFFC0] =	vst v0  }
0x6d: {  	[tilespmem:s11+$0x30] =	vst v0  }
0x6e: {  	[tilespmem:s11+$0x20] =	vst v0  }
0x6f: {  	[tilespmem:s11+$0x10] =	vst v0  }
0x70: {  	[tilespmem:s11+$0x0] =	vst v0  }
0x71: {  	[tilespmem:s11+$0xFFFFFFF0] =	vst v0  }
0x72: {  	s12 =	simm.s32 $0x0;
	[tilespmem:s11+$0xFFFFFFE0] =	vst v0  }
.LBB2_8:
0x73: {  	s12 =	sadd.s32 $0x80, s12;
	[tilespmem:s11+$0xFFFFFFD0] =	vst v0;
	s11 =	sadd.s32 $0x80, s11  }
0x74: {  	[tilespmem:s11+$0xFFFFFFC0] =	vst v0;
	p0 =	slt.u32 s12, $0x200  }
0x75: {  	[tilespmem:s11+$0x30] =	vst v0  }
.Ltmp4:
0x76: {  	[tilespmem:s11+$0x20] =	vst v0;
	(pc) =	sbr.rel @p0 .LBB2_8-.Ltmp4, $4  }
0x77: {  	[tilespmem:s11+$0x10] =	vst v0  }
0x78: {  	[tilespmem:s11+$0x0] =	vst v0  }
0x79: {  	[tilespmem:s11+$0xFFFFFFF0] =	vst v0  }
0x7a: {  	[tilespmem:s11+$0xFFFFFFE0] =	vst v0  }
0x7b: {  	[tilespmem:s11+$0xFFFFFFD0] =	vst v0;
	s28 =	simm.s32 $0x16800;
	s12 =	simm.s32 $0x2  }
0x7c: {  	[spmem:s10] =	stream.linear.scatter [tilespmem:s28], [sflag:$0x2], $0x280, $0x38;
	[tilespmem:$0x17480] =	vst v63  }
0x7d: {  	_ =	swait.ge [sflag:s12], $0x280  }
0x7e: {  	[sflag:s12] =	ssyncset.done $0x0  }
0x7f: {  	s14 =	simm.s32 $0x5000;
	[sflag:s12] =	ssyncadd.s32 $0xFFFFFD80  }
0x80: {  	s13 =	simm.s32 $0x0;
	s15 =	simm.s32 $0xA000;
	[bflag:$0x0] =	sbarrier.arrive $0xFFFF  }
0x81: {  	[spmem:s8] =	stream.indirect.scatter.add.f32 [tilespmem:s15], [sflag:$0x2], $0x1, s13, s14, $0xb8;
	[tilespmem:$0x17480] =	vst v63  }
0x82: {  	_ =	swait.ge [sflag:s12], $0x5000  }
0x83: {  	[sflag:s12] =	ssyncset.done $0x0  }
0x84: {  	[sflag:s12] =	ssyncadd.s32 $0xFFFFB000  }
0x85: {  	[bflag:$0x0] =	sbarrier.arrive $0xFFFF  }
0x86: {  	[tilespmem:s28], [sflag:$0x2] =	stream.linear.gather [spmem:s10], $0x280, $0x38;
	[tilespmem:$0x17480] =	vst v63  }
0x87: {  	_ =	swait.ge [sflag:s12], $0x280  }
0x88: {  	[sflag:s12] =	ssyncset.done $0x0  }
0x89: {  	s11 =	simm.s32 $0x16820;
	[sflag:s12] =	ssyncadd.s32 $0xFFFFFD80  }
0x8a: {  	v1 =	vld [tilespmem:s11+$0x10];
	_ =	sdelay $0x4  }
0x8b: {  	v0 =	vshra.s32 v1, $0x1;
	v2 =	vmul.f32 $5.000000000e-01, v1  }
0x8c: {  	v0 =	vsub.s32 $0x5F3759DF, v0  }
0x8d: {  	v4 =	vld [tilespmem:s11+$0x0];
	v3 =	vmul.f32 v0, v2;
	_ =	sdelay $0x1  }
0x8e: {  	v7 =	vld [tilespmem:s11+$0xFFFFFFF0];
	v3 =	vmul.f32 v0, v3;
	_ =	sdelay $0x1  }
0x8f: {  	v3 =	vsub.f32 $1.500000000e+00, v3  }
0x90: {  	v13 =	vld [tilespmem:s11+$0xFFFFFFE0];
	v5 =	vshra.s32 v4, $0x1;
	v9 =	vmul.f32 $5.000000000e-01, v4  }
0x91: {  	v5 =	vsub.s32 $0x5F3759DF, v5;
	v0 =	vmul.f32 v0, v3  }
0x92: {  	v10 =	vmul.f32 $5.000000000e-01, v7;
	v6 =	vmul.f32 v5, v9;
	v3 =	vshra.s32 v7, $0x1  }
0x93: {  	v3 =	vsub.s32 $0x5F3759DF, v3;
	v8 =	vmul.f32 v0, v2  }
0x94: {  	v6 =	vmul.f32 v5, v6;
	v11 =	vmul.f32 v3, v10  }
0x95: {  	v12 =	vmul.f32 $5.000000000e-01, v13;
	v14 =	vshra.s32 v13, $0x1;
	v8 =	vmul.f32 v8, v0  }
0x96: {  	v14 =	vsub.s32 $0x5F3759DF, v14;
	v6 =	vsub.f32 $1.500000000e+00, v6;
	v11 =	vmul.f32 v3, v11  }
0x97: {  	v15 =	vmul.f32 v14, v12;
	v8 =	vsub.f32 $1.500000000e+00, v8  }
0x98: {  	v5 =	vmul.f32 v5, v6;
	v11 =	vsub.f32 $1.500000000e+00, v11  }
0x99: {  	s12 =	simm.s32 $0x16860;
	v6 =	vmul.f32 v8, v0;
	v0 =	vmul.f32 v14, v15  }
0x9a: {  	v3 =	vmul.f32 v3, v11;
	v8 =	vmul.f32 v5, v9;
	v15 =	vld [tilespmem:s12+$0x10]  }
0x9b: {  	v2 =	vmul.f32 v6, v2;
	v11 =	vsub.f32 $1.500000000e+00, v0  }
0x9c: {  	vm0 =	vgt.f32 v4, $5.000000000e-01;
	v16 =	vmul.f32 v3, v10;
	v8 =	vmul.f32 v8, v5  }
0x9d: {  	vm1 =	vgt.f32 v1, $5.000000000e-01;
	v1 =	vld [tilespmem:s12+$0xFFFFFFE0];
	v2 =	vmul.f32 v2, v6;
	v11 =	vmul.f32 v14, v11  }
0x9e: {  	vm3 =	vgt.f32 v7, $5.000000000e-01;
	v0 =	vld [tilespmem:s12+$0xFFFFFFF0];
	v4 =	vmul.f32 v16, v3;
	v8 =	vsub.f32 $1.500000000e+00, v8  }
0x9f: {  	v18 =	vmul.f32 $5.000000000e-01, v15;
	v2 =	vsub.f32 $1.500000000e+00, v2;
	v16 =	vmul.f32 v11, v12  }
0xa0: {  	v14 =	vld [tilespmem:s12+$0x0];
	v4 =	vsub.f32 $1.500000000e+00, v4;
	v17 =	vmul.f32 v8, v5;
	v5 =	vshra.s32 v15, $0x1  }
0xa1: {  	v19 =	vmul.f32 v2, v6;
	v6 =	vmul.f32 v16, v11;
	v16 =	vsub.s32 $0x5F3759DF, v5  }
0xa2: {  	vm4 =	vgt.f32 v13, $5.000000000e-01;
	v4 =	vmul.f32 v4, v3;
	v8 =	vmul.f32 v16, v18  }
0xa3: {  	vm0 =	vmmov vm0;
	v2 =	vmul.f32 $5.000000000e-01, v0;
	v3 =	vmul.f32 $5.000000000e-01, v1  }
0xa4: {  	v5 =	vshra.s32 v0, $0x1;
	v9 =	vmul.f32 v17, v9;
	v8 =	vmul.f32 v16, v8  }
0xa5: {  	s29 =	sadd.s32 $0x0, s3;
	v20 =	vshra.s32 v14, $0x1;
	v22 =	vsub.s32 $0x5F3759DF, v5;
	v5 =	vmul.f32 $5.000000000e-01, v14  }
0xa6: {  	s30 =	simm.s32 $0x30;
	s14 =	sand.u32 $0x7F80, s29;
	v21 =	vsub.f32 $1.500000000e+00, v6;
	v20 =	vsub.s32 $0x5F3759DF, v20;
	v24 =	vsub.f32 $1.500000000e+00, v8  }
0xa7: {  	s31 =	sand.u32 $0x70, s30;
	s17 =	sadd.s32 $0xF000, s14;
	v23 =	vmul.f32 v22, v2;
	v19 =	vnsel vm1, $0x0, v19;
	v9 =	vmul.f32 v9, v17  }
0xa8: {  	s14 =	sor.u32 s31, s17;
	vm1 =	vgt.f32 v14, $5.000000000e-01;
	v10 =	vmul.f32 v4, v10;
	[tilespmem:s11+$0x10] =	vst v19;
	v14 =	vmul.f32 v16, v24  }
0xa9: {  	v6 =	vshra.s32 v1, $0x1;
	v60 =	vld [tilespmem:s14+$0x0];
	v8 =	vmul.f32 v21, v11;
	v11 =	vmul.f32 v20, v5  }
0xaa: {  	v6 =	vsub.s32 $0x5F3759DF, v6;
	v16 =	vmul.f32 v22, v23;
	v61 =	vmul.f32 v14, v18  }
0xab: {  	v25 =	vsub.f32 $1.500000000e+00, v9;
	v62 =	vmul.f32 v20, v11;
	v11 =	vmul.f32 v10, v4  }
0xac: {  	v10 =	vsub.f32 $0.0e+00, v19;
	v16 =	vsub.f32 $1.500000000e+00, v16;
	v23 =	vmul.f32 v61, v14  }
0xad: {  	v19 =	vmul.f32 v6, v3;
	v12 =	vmul.f32 v8, v12;
	v24 =	vsub.f32 $1.500000000e+00, v62  }
0xae: {  	v21 =	vmul.f32 v10, v60;
	v9 =	vmul.f32 v22, v16;
	v16 =	vsub.f32 $1.500000000e+00, v23  }
0xaf: {  	vm2 =	vmmov vm0;
	v63 =	vmul.f32 v12, v8;
	v12 =	vmul.f32 v20, v24  }
0xb0: {  	vm0 =	vmmov vm1;
	v19 =	vmul.f32 v6, v19;
	v10 =	vmul.f32 v16, v14  }
0xb1: {  	s16 =	simm.s32 $0x40;
	vm1 =	vgt.f32 v15, $5.000000000e-01;
	s14 =	simm.s32 $0x16AA0;
	v13 =	vmul.f32 v25, v17;
	v17 =	vmul.f32 v12, v5  }
0xb2: {  	s18 =	simm.s32 $0x80;
	s19 =	simm.s32 $0x168A0;
	s15 =	simm.s32 $0x16AA0;
	[tilespmem:s14+$0x10] =	vst v21;
	v14 =	vsub.f32 $1.500000000e+00, v19;
	v16 =	vsub.f32 $1.500000000e+00, v63;
	v15 =	vmul.f32 v10, v18  }
.LBB2_10:
0xb3: {  	p0 =	slt.u32 s18, $0x240  }
0xb4: {  	v7 =	vld [tilespmem:s19+$0x10];
	v18 =	vmul.f32 v9, v2;
	v8 =	vmul.f32 v16, v8;
	v11 =	vsub.f32 $1.500000000e+00, v11;
	s14 =	sadd.s32 $0x40, s14;
	s20 =	smov.u32 s18;
	s18 =	sadd.s32 $0x40, s18  }
0xb5: {  	v13 =	vnsel vm2, $0x0, v13;
	v16 =	vld [tilespmem:s19+$0xFFFFFFF0];
	v17 =	vmul.f32 v17, v12;
	v15 =	vmul.f32 v15, v10  }
0xb6: {  	v14 =	vmul.f32 v6, v14;
	v6 =	vmul.f32 v18, v9;
	v8 =	vnsel vm4, $0x0, v8  }
0xb7: {  	s21 =	sand.u32 $0x40, s13;
	s22 =	sadd.s32 $0x10, s13;
	s13 =	sadd.s32 $0x20, s13;
	v4 =	vmul.f32 v11, v4;
	v18 =	vld [tilespmem:s19+$0xFFFFFFE0];
	v17 =	vsub.f32 $1.500000000e+00, v17;
	v15 =	vsub.f32 $1.500000000e+00, v15  }
0xb8: {  	s21 =	sor.u32 s21, s17;
	s22 =	sand.u32 $0x50, s22;
	s13 =	sand.u32 $0x60, s13;
	v19 =	vmul.f32 v14, v3;
	v11 =	vld [tilespmem:s19+$0x0];
	v6 =	vsub.f32 $1.500000000e+00, v6;
	[tilespmem:s11+$0xFFFFFFE0] =	vst v8;
	v8 =	vsub.f32 $0.0e+00, v8  }
0xb9: {  	v17 =	vmul.f32 v17, v12;
	v10 =	vmul.f32 v15, v10;
	v12 =	vld [tilespmem:s21+$0x0];
	v15 =	vnsel vm3, $0x0, v4;
	s21 =	sor.u32 s22, s17;
	[tilespmem:s11+$0x0] =	vst v13;
	s17 =	sor.u32 s13, s17;
	s13 =	smov.u32 s16  }
0xba: {  	v19 =	vmul.f32 v19, v14;
	s16 =	smov.u32 s20;
	v4 =	vmul.f32 v6, v9;
	[tilespmem:s11+$0xFFFFFFF0] =	vst v15;
	v6 =	vsub.f32 $0.0e+00, v13;
	v9 =	vld [tilespmem:s17+$0x0];
	s11 =	smov.u32 s12;
	s12 =	smov.u32 s19  }
0xbb: {  	v20 =	vmul.f32 $5.000000000e-01, v7;
	v13 =	vshra.s32 v7, $0x1;
	v15 =	vsub.f32 $0.0e+00, v15;
	v21 =	vld [tilespmem:s21+$0x0]  }
0xbc: {  	v22 =	vshra.s32 v16, $0x1;
	v23 =	vmul.f32 $5.000000000e-01, v16;
	v13 =	vsub.s32 $0x5F3759DF, v13  }
0xbd: {  	v19 =	vsub.f32 $1.500000000e+00, v19;
	v25 =	vmul.f32 v13, v20;
	v24 =	vshra.s32 v11, $0x1  }
0xbe: {  	v26 =	vmul.f32 $5.000000000e-01, v18;
	v24 =	vsub.s32 $0x5F3759DF, v24;
	v8 =	vmul.f32 v8, v12  }
0xbf: {  	v12 =	vshra.s32 v18, $0x1;
	v25 =	vmul.f32 v13, v25;
	v9 =	vmul.f32 v6, v9  }
0xc0: {  	s17 =	sadd.s32 s13, s3;
	v6 =	vsub.s32 $0x5F3759DF, v12;
	v12 =	vsub.s32 $0x5F3759DF, v22;
	[tilespmem:s15+$0xFFFFFFE0] =	vst v8;
	v15 =	vmul.f32 v15, v21  }
0xc1: {  	s20 =	sadd.s32 $0x30, s13;
	s17 =	sand.u32 $0x7F80, s17;
	v22 =	vmul.f32 $5.000000000e-01, v11;
	v21 =	vmul.f32 v12, v23;
	v25 =	vsub.f32 $1.500000000e+00, v25;
	[tilespmem:s15+$0x0] =	vst v9  }
0xc2: {  	v10 =	vnsel vm1, $0x0, v10;
	s20 =	sand.u32 $0x70, s20;
	s17 =	sadd.s32 $0xF000, s17;
	v8 =	vmul.f32 v19, v14;
	v9 =	vmul.f32 v17, v5;
	[tilespmem:s15+$0xFFFFFFF0] =	vst v15;
	s15 =	smov.u32 s14  }
0xc3: {  	vm1 =	vgt.f32 v11, $5.000000000e-01;
	s20 =	sor.u32 s20, s17;
	v11 =	vmul.f32 v24, v22;
	v5 =	vmovc v22;
	v13 =	vmul.f32 v13, v25;
	[tilespmem:s11+$0x10] =	vst v10  }
0xc4: {  	vm2 =	vmmov vm0;
	v14 =	vmul.f32 v12, v21;
	v9 =	vmul.f32 v9, v17;
	v15 =	vld [tilespmem:s20+$0x0]  }
0xc5: {  	vm0 =	vmmov vm1;
	v21 =	vmul.f32 v4, v2;
	v2 =	vmovc v23;
	v19 =	vmul.f32 v13, v20  }
0xc6: {  	v22 =	vmul.f32 v24, v11;
	v14 =	vsub.f32 $1.500000000e+00, v14;
	v23 =	vsub.f32 $1.500000000e+00, v9  }
0xc7: {  	v10 =	vsub.f32 $0.0e+00, v10;
	v11 =	vmul.f32 v21, v4;
	v19 =	vmul.f32 v19, v13  }
0xc8: {  	v25 =	vmul.f32 v8, v3;
	v3 =	vmovc v26;
	v21 =	vmul.f32 v6, v26;
	v22 =	vsub.f32 $1.500000000e+00, v22  }
.Ltmp5:
0xc9: {  	v9 =	vmul.f32 v12, v14;
	v14 =	vsub.f32 $1.500000000e+00, v19;
	v15 =	vmul.f32 v10, v15;
	(pc) =	sbr.rel @p0 .LBB2_10-.Ltmp5, $4  }
0xca: {  	vm3 =	vgt.f32 v0, $5.000000000e-01;
	v0 =	vmovc v16;
	v19 =	vmul.f32 v6, v21;
	v21 =	vmul.f32 v25, v8  }
0xcb: {  	vm4 =	vgt.f32 v1, $5.000000000e-01;
	v1 =	vmovc v18;
	v12 =	vmul.f32 v24, v22;
	v10 =	vmul.f32 v14, v13;
	[tilespmem:s14+$0x10] =	vst v15  }
0xcc: {  	v14 =	vsub.f32 $1.500000000e+00, v19;
	v16 =	vsub.f32 $1.500000000e+00, v21;
	v13 =	vmul.f32 v23, v17  }
0xcd: {  	s19 =	sadd.s32 $0x40, s19;
	vm1 =	vgt.f32 v7, $5.000000000e-01;
	v17 =	vmul.f32 v12, v5;
	v15 =	vmul.f32 v10, v20  }
0xce: {  	v6 =	vmul.f32 v6, v14  }
0xcf: {  	v49 =	vmul.f32 v9, v2  }
0xd0: {  	v17 =	vmul.f32 v17, v12;
	v7 =	vmul.f32 v6, v3  }
0xd1: {  	v14 =	vmul.f32 v49, v9  }
0xd2: {  	v17 =	vsub.f32 $1.500000000e+00, v17;
	v7 =	vmul.f32 v7, v6  }
0xd3: {  	v14 =	vsub.f32 $1.500000000e+00, v14  }
0xd4: {  	v50 =	vmul.f32 v16, v8;
	v51 =	vmul.f32 v17, v12;
	v7 =	vsub.f32 $1.500000000e+00, v7  }
0xd5: {  	v11 =	vsub.f32 $1.500000000e+00, v11;
	v53 =	vmul.f32 v15, v10;
	v52 =	vmul.f32 v14, v9  }
0xd6: {  	v5 =	vmul.f32 v51, v5;
	v6 =	vmul.f32 v7, v6  }
0xd7: {  	v4 =	vmul.f32 v11, v4;
	v2 =	vmul.f32 v52, v2  }
0xd8: {  	v5 =	vmul.f32 v5, v51;
	v3 =	vmul.f32 v6, v3  }
0xd9: {  	s18 =	sand.u32 $0x40, s13;
	s19 =	sadd.s32 $0x10, s13;
	v54 =	vnsel vm2, $0x0, v13;
	v12 =	vsub.f32 $1.500000000e+00, v53;
	v2 =	vmul.f32 v2, v52  }
0xda: {  	s28 =	sadd.s32 $0x20, s13;
	s20 =	sadd.s32 s16, s3;
	s19 =	sand.u32 $0x50, s19;
	v4 =	vnsel vm3, $0x0, v4;
	v5 =	vsub.f32 $1.500000000e+00, v5;
	v3 =	vmul.f32 v3, v6  }
0xdb: {  	s30 =	sadd.s32 $0x30, s16;
	vm14 =	vgt.f32 v1, $5.000000000e-01;
	s13 =	sand.u32 $0x60, s28;
	s31 =	sor.u32 s19, s17;
	[tilespmem:s11+$0xFFFFFFF0] =	vst v4;
	v55 =	vmul.f32 v12, v10;
	v2 =	vsub.f32 $1.500000000e+00, v2  }
0xdc: {  	s22 =	sadd.s32 $0x20, s16;
	[tilespmem:s11+$0x0] =	vst v54;
	s29 =	sand.u32 $0x7F80, s20;
	s13 =	sor.u32 s13, s17;
	v58 =	vld [tilespmem:s31+$0x0];
	v7 =	vnsel vm4, $0x0, v50;
	v1 =	vmul.f32 v5, v51;
	v3 =	vsub.f32 $1.500000000e+00, v3  }
0xdd: {  	vm0 =	vmmov vm0;
	s18 =	sor.u32 s18, s17;
	s20 =	sand.u32 $0x70, s30;
	s19 =	sadd.s32 $0xF000, s29;
	v57 =	vld [tilespmem:s13+$0x0];
	[tilespmem:s11+$0xFFFFFFE0] =	vst v7;
	v10 =	vnsel vm1, $0x0, v55;
	v2 =	vmul.f32 v2, v52  }
0xde: {  	vm15 =	vgt.f32 v0, $5.000000000e-01;
	s23 =	sadd.s32 $0x10, s16;
	s25 =	sand.u32 $0x60, s22;
	s13 =	sor.u32 s20, s19;
	v56 =	vld [tilespmem:s18+$0x0];
	[tilespmem:s12+$0x10] =	vst v10;
	v0 =	vnsel vm0, $0x0, v1;
	v3 =	vmul.f32 v3, v6  }
0xdf: {  	s26 =	sor.u32 s25, s19;
	v4 =	vsub.f32 $0.0e+00, v4;
	v59 =	vld [tilespmem:s13+$0x0];
	s13 =	sand.u32 $0x50, s23;
	v2 =	vnsel vm15, $0x0, v2;
	[tilespmem:s12+$0x0] =	vst v0  }
0xe0: {  	s21 =	sand.u32 $0x40, s16;
	s11 =	sor.u32 s13, s19;
	v1 =	vsub.f32 $0.0e+00, v54;
	[tilespmem:s12+$0xFFFFFFF0] =	vst v2;
	v61 =	vld [tilespmem:s26+$0x0];
	v3 =	vnsel vm14, $0x0, v3  }
0xe1: {  	s24 =	sor.u32 s21, s19;
	v7 =	vsub.f32 $0.0e+00, v7;
	v4 =	vmul.f32 v4, v58;
	v63 =	vld [tilespmem:s11+$0x0];
	[tilespmem:s12+$0xFFFFFFE0] =	vst v3  }
0xe2: {  	v62 =	vsub.f32 $0.0e+00, v10;
	v1 =	vmul.f32 v1, v57;
	v60 =	vld [tilespmem:s24+$0x0]  }
0xe3: {  	[tilespmem:s15+$0xFFFFFFF0] =	vst v4;
	v7 =	vmul.f32 v7, v56;
	v0 =	vsub.f32 $0.0e+00, v0  }
0xe4: {  	v2 =	vsub.f32 $0.0e+00, v2;
	[tilespmem:s15+$0x0] =	vst v1;
	v1 =	vmul.f32 v62, v59  }
0xe5: {  	s28 =	sadd.s32 $0x40, s14;
	[tilespmem:s15+$0xFFFFFFE0] =	vst v7;
	v3 =	vsub.f32 $0.0e+00, v3;
	v0 =	vmul.f32 v0, v61  }
0xe6: {  	[tilespmem:s28+$0x10] =	vst v1;
	v1 =	vmul.f32 v2, v63  }
0xe7: {  	[tilespmem:s28+$0x0] =	vst v0;
	v3 =	vmul.f32 v3, v60  }
0xe8: {  	[tilespmem:s28+$0xFFFFFFF0] =	vst v1  }
0xe9: {  	s30 =	simm.s32 $0x2;
	s29 =	simm.s32 $0x16800;
	[tilespmem:s28+$0xFFFFFFE0] =	vst v3  }
0xea: {  	[spmem:s5] =	stream.linear.scatter [tilespmem:s29], [sflag:$0x2], $0x280, $0x38;
	[tilespmem:$0x17480] =	vst v63  }
0xeb: {  	_ =	swait.ge [sflag:s30], $0x280  }
0xec: {  	[sflag:s30] =	ssyncset.done $0x0  }
0xed: {  	s31 =	simm.s32 $0x16A80;
	[sflag:s30] =	ssyncadd.s32 $0xFFFFFD80  }
0xee: {  	[spmem:s7] =	stream.linear.scatter [tilespmem:s31], [sflag:$0x2], $0x280, $0x38;
	[tilespmem:$0x17480] =	vst v63  }
0xef: {  	_ =	swait.ge [sflag:s30], $0x280  }
0xf0: {  	[sflag:s30] =	ssyncset.done $0x0  }
0xf1: {  	s11 =	simm.s32 $0x16840;
	v0 =	vimm.f32 $0.0e+00;
	[sflag:s30] =	ssyncadd.s32 $0xFFFFFD80  }
0xf2: {  	[tilespmem:s11+$0xFFFFFFC0] =	vst v0  }
0xf3: {  	[tilespmem:s11+$0x30] =	vst v0  }
0xf4: {  	[tilespmem:s11+$0x20] =	vst v0  }
0xf5: {  	[tilespmem:s11+$0x10] =	vst v0  }
0xf6: {  	[tilespmem:s11+$0x0] =	vst v0  }
0xf7: {  	[tilespmem:s11+$0xFFFFFFF0] =	vst v0  }
0xf8: {  	s12 =	simm.s32 $0x0;
	[tilespmem:s11+$0xFFFFFFE0] =	vst v0  }
.LBB2_12:
0xf9: {  	s12 =	sadd.s32 $0x80, s12;
	[tilespmem:s11+$0xFFFFFFD0] =	vst v0;
	s11 =	sadd.s32 $0x80, s11  }
0xfa: {  	[tilespmem:s11+$0xFFFFFFC0] =	vst v0;
	p0 =	slt.u32 s12, $0x200  }
0xfb: {  	[tilespmem:s11+$0x30] =	vst v0  }
.Ltmp6:
0xfc: {  	[tilespmem:s11+$0x20] =	vst v0;
	(pc) =	sbr.rel @p0 .LBB2_12-.Ltmp6, $4  }
0xfd: {  	[tilespmem:s11+$0x10] =	vst v0  }
0xfe: {  	[tilespmem:s11+$0x0] =	vst v0  }
0xff: {  	[tilespmem:s11+$0xFFFFFFF0] =	vst v0  }
0x100: {  	[tilespmem:s11+$0xFFFFFFE0] =	vst v0  }
0x101: {  	[tilespmem:s11+$0xFFFFFFD0] =	vst v0;
	s31 =	simm.s32 $0x16800;
	s13 =	simm.s32 $0x2  }
0x102: {  	[spmem:s10] =	stream.linear.scatter [tilespmem:s31], [sflag:$0x2], $0x280, $0x38;
	[tilespmem:$0x17480] =	vst v63  }
0x103: {  	_ =	swait.ge [sflag:s13], $0x280  }
0x104: {  	[sflag:s13] =	ssyncset.done $0x0  }
0x105: {  	[sflag:s13] =	ssyncadd.s32 $0xFFFFFD80  }
0x106: {  	s11 =	simm.s32 $0x11800;
	[bflag:$0x0] =	sbarrier.arrive $0xFFFF  }
0x107: {  	[tilespmem:s11], [sflag:$0x2] =	stream.linear.gather [spmem:s4], $0x2800, $0x38;
	[tilespmem:$0x17480] =	vst v63  }
0x108: {  	_ =	swait.ge [sflag:s13], $0x2800  }
0x109: {  	[sflag:s13] =	ssyncset.done $0x0  }
0x10a: {  	s12 =	simm.s32 $0x14000;
	[sflag:s13] =	ssyncadd.s32 $0xFFFFD800  }
0x10b: {  	[tilespmem:s12], [sflag:$0x2] =	stream.linear.gather [spmem:s6], $0x2800, $0x38;
	[tilespmem:$0x17480] =	vst v63  }
0x10c: {  	_ =	swait.ge [sflag:s13], $0x2800  }
0x10d: {  	[sflag:s13] =	ssyncset.done $0x0  }
0x10e: {  	s14 =	simm.s32 $0x40;
	[sflag:s13] =	ssyncadd.s32 $0xFFFFD800  }
0x10f: {  	s13 =	simm.s32 $0x5040;
	v0 =	vld [tilespmem:s14+$0x30]  }
0x110: {  	v1 =	vld [tilespmem:s13+$0x30]  }
0x111: {  	v2 =	vld [tilespmem:s13+$0xFFFFFFC0]  }
0x112: {  	v3 =	vld [tilespmem:s14+$0xFFFFFFD0]  }
0x113: {  	v4 =	vld [tilespmem:s13+$0xFFFFFFD0]  }
0x114: {  	v5 =	vld [tilespmem:s14+$0xFFFFFFE0]  }
0x115: {  	v6 =	vld [tilespmem:s13+$0xFFFFFFE0]  }
0x116: {  	v7 =	vld [tilespmem:s14+$0xFFFFFFF0]  }
0x117: {  	v9 =	vld [tilespmem:s14+$0x0]  }
0x118: {  	v10 =	vld [tilespmem:s13+$0x0]  }
0x119: {  	v11 =	vld [tilespmem:s14+$0x10]  }
0x11a: {  	v12 =	vld [tilespmem:s13+$0x10]  }
0x11b: {  	v13 =	vld [tilespmem:s14+$0x20]  }
0x11c: {  	v14 =	vld [tilespmem:s13+$0x20]  }
0x11d: {  	v15 =	vld [tilespmem:s14+$0xFFFFFFC0]  }
0x11e: {  	v8 =	vld.idx.msk [tilespmem:v0+s12+$0x0], $0xffff  }
0x11f: {  	v1 =	vld.idx.msk [tilespmem:v1+s11+$0x0], $0xffff  }
0x120: {  	v0 =	vld [tilespmem:s13+$0xFFFFFFF0]  }
0x121: {  	v16 =	vld.idx.msk [tilespmem:v2+s11+$0x0], $0xffff  }
0x122: {  	v3 =	vld.idx.msk [tilespmem:v3+s12+$0x0], $0xffff  }
0x123: {  	v4 =	vld.idx.msk [tilespmem:v4+s11+$0x0], $0xffff  }
0x124: {  	v5 =	vld.idx.msk [tilespmem:v5+s12+$0x0], $0xffff  }
0x125: {  	v6 =	vld.idx.msk [tilespmem:v6+s11+$0x0], $0xffff  }
0x126: {  	v7 =	vld.idx.msk [tilespmem:v7+s12+$0x0], $0xffff  }
0x127: {  	v15 =	vld.idx.msk [tilespmem:v15+s12+$0x0], $0xffff  }
0x128: {  	v17 =	vld.idx.msk [tilespmem:v0+s11+$0x0], $0xffff  }
0x129: {  	v2 =	vld.idx.msk [tilespmem:v10+s11+$0x0], $0xffff  }
0x12a: {  	v8 =	vmul.f32 v1, v8;
	v1 =	vld.idx.msk [tilespmem:v11+s12+$0x0], $0xffff  }
0x12b: {  	s14 =	simm.s32 $0xA040;
	v3 =	vmul.f32 v4, v3;
	v0 =	vld.idx.msk [tilespmem:v9+s12+$0x0], $0xffff  }
0x12c: {  	v5 =	vmul.f32 v6, v5;
	v4 =	vld.idx.msk [tilespmem:v12+s11+$0x0], $0xffff;
	[tilespmem:s14+$0x30] =	vst v8  }
0x12d: {  	[tilespmem:s14+$0xFFFFFFD0] =	vst v3;
	v3 =	vld.idx.msk [tilespmem:v13+s12+$0x0], $0xffff;
	v7 =	vmul.f32 v17, v7  }
0x12e: {  	s15 =	simm.s32 $0x0;
	s16 =	simm.s32 $0xC0;
	v6 =	vmul.f32 v16, v15;
	[tilespmem:s14+$0xFFFFFFE0] =	vst v5;
	v5 =	vld.idx.msk [tilespmem:v14+s11+$0x0], $0xffff  }
.LBB2_14:
0x12f: {  	v8 =	vld [tilespmem:s16+$0x30];
	[tilespmem:s14+$0xFFFFFFF0] =	vst v7;
	s13 =	sadd.s32 $0x80, s13  }
0x130: {  	s15 =	sadd.s32 $0x80, s15;
	v0 =	vmul.f32 v2, v0;
	v7 =	vld [tilespmem:s13+$0x30];
	[tilespmem:s14+$0xFFFFFFC0] =	vst v6  }
0x131: {  	p0 =	slt.u32 s15, $0x1380;
	v2 =	vld [tilespmem:s13+$0xFFFFFFC0]  }
0x132: {  	v6 =	vld [tilespmem:s16+$0xFFFFFFD0];
	[tilespmem:s14+$0x0] =	vst v0;
	v0 =	vmul.f32 v4, v1  }
0x133: {  	v1 =	vld [tilespmem:s13+$0xFFFFFFD0]  }
0x134: {  	v4 =	vld [tilespmem:s16+$0xFFFFFFE0];
	[tilespmem:s14+$0x10] =	vst v0;
	v0 =	vmul.f32 v5, v3  }
0x135: {  	v3 =	vld [tilespmem:s13+$0xFFFFFFE0]  }
0x136: {  	v5 =	vld [tilespmem:s16+$0xFFFFFFF0];
	[tilespmem:s14+$0x20] =	vst v0  }
0x137: {  	v0 =	vld.idx.msk [tilespmem:v8+s12+$0x0], $0xffff  }
0x138: {  	v7 =	vld.idx.msk [tilespmem:v7+s11+$0x0], $0xffff  }
0x139: {  	v8 =	vld [tilespmem:s13+$0xFFFFFFF0]  }
0x13a: {  	v9 =	vld [tilespmem:s16+$0x0]  }
0x13b: {  	v10 =	vld [tilespmem:s13+$0x0]  }
0x13c: {  	v11 =	vld [tilespmem:s16+$0x10]  }
0x13d: {  	v12 =	vld [tilespmem:s13+$0x10]  }
0x13e: {  	v0 =	vmul.f32 v7, v0;
	v13 =	vld [tilespmem:s16+$0x20]  }
0x13f: {  	s14 =	sadd.s32 $0x80, s14;
	v14 =	vld [tilespmem:s13+$0x20]  }
0x140: {  	v7 =	vld [tilespmem:s16+$0xFFFFFFC0];
	[tilespmem:s14+$0x30] =	vst v0  }
0x141: {  	v15 =	vld.idx.msk [tilespmem:v2+s11+$0x0], $0xffff  }
0x142: {  	v0 =	vld.idx.msk [tilespmem:v6+s12+$0x0], $0xffff  }
0x143: {  	v1 =	vld.idx.msk [tilespmem:v1+s11+$0x0], $0xffff  }
0x144: {  	v4 =	vld.idx.msk [tilespmem:v4+s12+$0x0], $0xffff  }
0x145: {  	v3 =	vld.idx.msk [tilespmem:v3+s11+$0x0], $0xffff  }
0x146: {  	v5 =	vld.idx.msk [tilespmem:v5+s12+$0x0], $0xffff  }
0x147: {  	v6 =	vld.idx.msk [tilespmem:v8+s11+$0x0], $0xffff  }
0x148: {  	v8 =	vld.idx.msk [tilespmem:v7+s12+$0x0], $0xffff  }
0x149: {  	v1 =	vmul.f32 v1, v0;
	v0 =	vld.idx.msk [tilespmem:v9+s12+$0x0], $0xffff  }
.Ltmp7:
0x14a: {  	v2 =	vld.idx.msk [tilespmem:v10+s11+$0x0], $0xffff;
	(pc) =	sbr.rel @p0 .LBB2_14-.Ltmp7, $4  }
0x14b: {  	v3 =	vmul.f32 v3, v4;
	[tilespmem:s14+$0xFFFFFFD0] =	vst v1;
	v1 =	vld.idx.msk [tilespmem:v11+s12+$0x0], $0xffff  }
0x14c: {  	v4 =	vld.idx.msk [tilespmem:v12+s11+$0x0], $0xffff  }
0x14d: {  	v7 =	vmul.f32 v6, v5;
	[tilespmem:s14+$0xFFFFFFE0] =	vst v3;
	v3 =	vld.idx.msk [tilespmem:v13+s12+$0x0], $0xffff  }
0x14e: {  	s16 =	sadd.s32 $0x80, s16;
	v6 =	vmul.f32 v15, v8;
	v5 =	vld.idx.msk [tilespmem:v14+s11+$0x0], $0xffff  }
0x14f: {  	_ =	sdelay $0x1  }
0x150: {  	[tilespmem:s14+$0xFFFFFFF0] =	vst v7;
	v0 =	vmul.f32 v2, v0  }
0x151: {  	[tilespmem:s14+$0xFFFFFFC0] =	vst v6;
	v1 =	vmul.f32 v4, v1  }
0x152: {  	[tilespmem:s14+$0x0] =	vst v0;
	v0 =	vmul.f32 v5, v3  }
0x153: {  	s11 =	simm.s32 $0x1400;
	[tilespmem:s14+$0x10] =	vst v1  }
0x154: {  	s12 =	simm.s32 $0x5000;
	s13 =	simm.s32 $0xA000;
	s31 =	simm.s32 $0x1470;
	[tilespmem:s14+$0x20] =	vst v0  }
0x155: {  	[spmem:s8] =	stream.indirect.scatter.add.f32 [tilespmem:s13], [sflag:$0x1], $0x1, s12, s11, $0xb8;
	[tilespmem:$0x17480] =	vst v63  }
0x156: {  	s11 =	simm.s32 $0x6470;
	v0 =	vld [tilespmem:s31+$0x0]  }
0x157: {  	v1 =	vld [tilespmem:s11+$0x0]  }
0x158: {  	v2 =	vld [tilespmem:s11+$0xFFFFFF90]  }
0x159: {  	v3 =	vld [tilespmem:s31+$0xFFFFFFA0]  }
0x15a: {  	v4 =	vld [tilespmem:s11+$0xFFFFFFA0]  }
0x15b: {  	v5 =	vld [tilespmem:s31+$0xFFFFFFB0]  }
0x15c: {  	v6 =	vld [tilespmem:s11+$0xFFFFFFB0]  }
0x15d: {  	v7 =	vld [tilespmem:s31+$0xFFFFFFC0]  }
0x15e: {  	v9 =	vld [tilespmem:s31+$0xFFFFFFD0]  }
0x15f: {  	v10 =	vld [tilespmem:s11+$0xFFFFFFD0]  }
0x160: {  	v11 =	vld [tilespmem:s31+$0xFFFFFFE0]  }
0x161: {  	v12 =	vld [tilespmem:s11+$0xFFFFFFE0]  }
0x162: {  	v13 =	vld [tilespmem:s31+$0xFFFFFFF0]  }
0x163: {  	v14 =	vld [tilespmem:s11+$0xFFFFFFF0]  }
0x164: {  	s12 =	simm.s32 $0x14000;
	v15 =	vld [tilespmem:s31+$0xFFFFFF90]  }
0x165: {  	s13 =	simm.s32 $0x11800;
	v8 =	vld.idx.msk [tilespmem:v0+s12+$0x0], $0xffff  }
0x166: {  	v1 =	vld.idx.msk [tilespmem:v1+s13+$0x0], $0xffff  }
0x167: {  	v0 =	vld [tilespmem:s11+$0xFFFFFFC0]  }
0x168: {  	v16 =	vld.idx.msk [tilespmem:v2+s13+$0x0], $0xffff  }
0x169: {  	v3 =	vld.idx.msk [tilespmem:v3+s12+$0x0], $0xffff  }
0x16a: {  	v4 =	vld.idx.msk [tilespmem:v4+s13+$0x0], $0xffff  }
0x16b: {  	v5 =	vld.idx.msk [tilespmem:v5+s12+$0x0], $0xffff  }
0x16c: {  	v6 =	vld.idx.msk [tilespmem:v6+s13+$0x0], $0xffff  }
0x16d: {  	v7 =	vld.idx.msk [tilespmem:v7+s12+$0x0], $0xffff  }
0x16e: {  	v15 =	vld.idx.msk [tilespmem:v15+s12+$0x0], $0xffff  }
0x16f: {  	v17 =	vld.idx.msk [tilespmem:v0+s13+$0x0], $0xffff  }
0x170: {  	v2 =	vld.idx.msk [tilespmem:v10+s13+$0x0], $0xffff  }
0x171: {  	v8 =	vmul.f32 v1, v8;
	v1 =	vld.idx.msk [tilespmem:v11+s12+$0x0], $0xffff  }
0x172: {  	s14 =	simm.s32 $0xB470;
	v3 =	vmul.f32 v4, v3;
	v0 =	vld.idx.msk [tilespmem:v9+s12+$0x0], $0xffff  }
0x173: {  	v5 =	vmul.f32 v6, v5;
	v4 =	vld.idx.msk [tilespmem:v12+s13+$0x0], $0xffff;
	[tilespmem:s14+$0x0] =	vst v8  }
0x174: {  	[tilespmem:s14+$0xFFFFFFA0] =	vst v3;
	v3 =	vld.idx.msk [tilespmem:v13+s12+$0x0], $0xffff;
	v7 =	vmul.f32 v17, v7  }
0x175: {  	s15 =	simm.s32 $0x1400;
	s16 =	simm.s32 $0x14F0;
	v6 =	vmul.f32 v16, v15;
	[tilespmem:s14+$0xFFFFFFB0] =	vst v5;
	v5 =	vld.idx.msk [tilespmem:v14+s13+$0x0], $0xffff  }
.LBB2_16:
0x176: {  	v8 =	vld [tilespmem:s16+$0x0];
	[tilespmem:s14+$0xFFFFFFC0] =	vst v7;
	s11 =	sadd.s32 $0x80, s11  }
0x177: {  	s15 =	sadd.s32 $0x80, s15;
	v0 =	vmul.f32 v2, v0;
	v7 =	vld [tilespmem:s11+$0x0];
	[tilespmem:s14+$0xFFFFFF90] =	vst v6  }
0x178: {  	p0 =	slt.u32 s15, $0x2780;
	v2 =	vld [tilespmem:s11+$0xFFFFFF90]  }
0x179: {  	v6 =	vld [tilespmem:s16+$0xFFFFFFA0];
	[tilespmem:s14+$0xFFFFFFD0] =	vst v0;
	v0 =	vmul.f32 v4, v1  }
0x17a: {  	v1 =	vld [tilespmem:s11+$0xFFFFFFA0]  }
0x17b: {  	v4 =	vld [tilespmem:s16+$0xFFFFFFB0];
	[tilespmem:s14+$0xFFFFFFE0] =	vst v0;
	v0 =	vmul.f32 v5, v3  }
0x17c: {  	v3 =	vld [tilespmem:s11+$0xFFFFFFB0]  }
0x17d: {  	v5 =	vld [tilespmem:s16+$0xFFFFFFC0];
	[tilespmem:s14+$0xFFFFFFF0] =	vst v0  }
0x17e: {  	v0 =	vld.idx.msk [tilespmem:v8+s12+$0x0], $0xffff  }
0x17f: {  	v7 =	vld.idx.msk [tilespmem:v7+s13+$0x0], $0xffff  }
0x180: {  	v8 =	vld [tilespmem:s11+$0xFFFFFFC0]  }
0x181: {  	v9 =	vld [tilespmem:s16+$0xFFFFFFD0]  }
0x182: {  	v10 =	vld [tilespmem:s11+$0xFFFFFFD0]  }
0x183: {  	v11 =	vld [tilespmem:s16+$0xFFFFFFE0]  }
0x184: {  	v12 =	vld [tilespmem:s11+$0xFFFFFFE0]  }
0x185: {  	v0 =	vmul.f32 v7, v0;
	v13 =	vld [tilespmem:s16+$0xFFFFFFF0]  }
0x186: {  	s14 =	sadd.s32 $0x80, s14;
	v14 =	vld [tilespmem:s11+$0xFFFFFFF0]  }
0x187: {  	v7 =	vld [tilespmem:s16+$0xFFFFFF90];
	[tilespmem:s14+$0x0] =	vst v0  }
0x188: {  	v15 =	vld.idx.msk [tilespmem:v2+s13+$0x0], $0xffff  }
0x189: {  	v0 =	vld.idx.msk [tilespmem:v6+s12+$0x0], $0xffff  }
0x18a: {  	v1 =	vld.idx.msk [tilespmem:v1+s13+$0x0], $0xffff  }
0x18b: {  	v4 =	vld.idx.msk [tilespmem:v4+s12+$0x0], $0xffff  }
0x18c: {  	v3 =	vld.idx.msk [tilespmem:v3+s13+$0x0], $0xffff  }
0x18d: {  	v5 =	vld.idx.msk [tilespmem:v5+s12+$0x0], $0xffff  }
0x18e: {  	v6 =	vld.idx.msk [tilespmem:v8+s13+$0x0], $0xffff  }
0x18f: {  	v8 =	vld.idx.msk [tilespmem:v7+s12+$0x0], $0xffff  }
0x190: {  	v1 =	vmul.f32 v1, v0;
	v0 =	vld.idx.msk [tilespmem:v9+s12+$0x0], $0xffff  }
.Ltmp8:
0x191: {  	v2 =	vld.idx.msk [tilespmem:v10+s13+$0x0], $0xffff;
	(pc) =	sbr.rel @p0 .LBB2_16-.Ltmp8, $4  }
0x192: {  	v3 =	vmul.f32 v3, v4;
	[tilespmem:s14+$0xFFFFFFA0] =	vst v1;
	v1 =	vld.idx.msk [tilespmem:v11+s12+$0x0], $0xffff  }
0x193: {  	v4 =	vld.idx.msk [tilespmem:v12+s13+$0x0], $0xffff  }
0x194: {  	v7 =	vmul.f32 v6, v5;
	[tilespmem:s14+$0xFFFFFFB0] =	vst v3;
	v3 =	vld.idx.msk [tilespmem:v13+s12+$0x0], $0xffff  }
0x195: {  	s16 =	sadd.s32 $0x80, s16;
	v6 =	vmul.f32 v15, v8;
	v5 =	vld.idx.msk [tilespmem:v14+s13+$0x0], $0xffff  }
0x196: {  	_ =	sdelay $0x1  }
0x197: {  	[tilespmem:s14+$0xFFFFFFC0] =	vst v7;
	v0 =	vmul.f32 v2, v0  }
0x198: {  	[tilespmem:s14+$0xFFFFFF90] =	vst v6;
	v1 =	vmul.f32 v4, v1  }
0x199: {  	[tilespmem:s14+$0xFFFFFFD0] =	vst v0;
	v0 =	vmul.f32 v5, v3  }
0x19a: {  	s11 =	simm.s32 $0x1400;
	[tilespmem:s14+$0xFFFFFFE0] =	vst v1  }
0x19b: {  	s12 =	simm.s32 $0x6400;
	s13 =	simm.s32 $0xB400;
	s31 =	simm.s32 $0x2870;
	[tilespmem:s14+$0xFFFFFFF0] =	vst v0  }
0x19c: {  	[spmem:s8] =	stream.indirect.scatter.add.f32 [tilespmem:s13], [sflag:$0x1], $0x1, s12, s11, $0xb8;
	[tilespmem:$0x17480] =	vst v63  }
0x19d: {  	s11 =	simm.s32 $0x7870;
	v0 =	vld [tilespmem:s31+$0x0]  }
0x19e: {  	v1 =	vld [tilespmem:s11+$0x0]  }
0x19f: {  	v2 =	vld [tilespmem:s11+$0xFFFFFF90]  }
0x1a0: {  	v3 =	vld [tilespmem:s31+$0xFFFFFFA0]  }
0x1a1: {  	v4 =	vld [tilespmem:s11+$0xFFFFFFA0]  }
0x1a2: {  	v5 =	vld [tilespmem:s31+$0xFFFFFFB0]  }
0x1a3: {  	v6 =	vld [tilespmem:s11+$0xFFFFFFB0]  }
0x1a4: {  	v7 =	vld [tilespmem:s31+$0xFFFFFFC0]  }
0x1a5: {  	v9 =	vld [tilespmem:s31+$0xFFFFFFD0]  }
0x1a6: {  	v10 =	vld [tilespmem:s11+$0xFFFFFFD0]  }
0x1a7: {  	v11 =	vld [tilespmem:s31+$0xFFFFFFE0]  }
0x1a8: {  	v12 =	vld [tilespmem:s11+$0xFFFFFFE0]  }
0x1a9: {  	v13 =	vld [tilespmem:s31+$0xFFFFFFF0]  }
0x1aa: {  	v14 =	vld [tilespmem:s11+$0xFFFFFFF0]  }
0x1ab: {  	s12 =	simm.s32 $0x14000;
	v15 =	vld [tilespmem:s31+$0xFFFFFF90]  }
0x1ac: {  	s13 =	simm.s32 $0x11800;
	v8 =	vld.idx.msk [tilespmem:v0+s12+$0x0], $0xffff  }
0x1ad: {  	v1 =	vld.idx.msk [tilespmem:v1+s13+$0x0], $0xffff  }
0x1ae: {  	v0 =	vld [tilespmem:s11+$0xFFFFFFC0]  }
0x1af: {  	v16 =	vld.idx.msk [tilespmem:v2+s13+$0x0], $0xffff  }
0x1b0: {  	v3 =	vld.idx.msk [tilespmem:v3+s12+$0x0], $0xffff  }
0x1b1: {  	v4 =	vld.idx.msk [tilespmem:v4+s13+$0x0], $0xffff  }
0x1b2: {  	v5 =	vld.idx.msk [tilespmem:v5+s12+$0x0], $0xffff  }
0x1b3: {  	v6 =	vld.idx.msk [tilespmem:v6+s13+$0x0], $0xffff  }
0x1b4: {  	v7 =	vld.idx.msk [tilespmem:v7+s12+$0x0], $0xffff  }
0x1b5: {  	v15 =	vld.idx.msk [tilespmem:v15+s12+$0x0], $0xffff  }
0x1b6: {  	v17 =	vld.idx.msk [tilespmem:v0+s13+$0x0], $0xffff  }
0x1b7: {  	v2 =	vld.idx.msk [tilespmem:v10+s13+$0x0], $0xffff  }
0x1b8: {  	v8 =	vmul.f32 v1, v8;
	v1 =	vld.idx.msk [tilespmem:v11+s12+$0x0], $0xffff  }
0x1b9: {  	s14 =	simm.s32 $0xC870;
	v3 =	vmul.f32 v4, v3;
	v0 =	vld.idx.msk [tilespmem:v9+s12+$0x0], $0xffff  }
0x1ba: {  	v5 =	vmul.f32 v6, v5;
	v4 =	vld.idx.msk [tilespmem:v12+s13+$0x0], $0xffff;
	[tilespmem:s14+$0x0] =	vst v8  }
0x1bb: {  	[tilespmem:s14+$0xFFFFFFA0] =	vst v3;
	v3 =	vld.idx.msk [tilespmem:v13+s12+$0x0], $0xffff;
	v7 =	vmul.f32 v17, v7  }
0x1bc: {  	s15 =	simm.s32 $0x2800;
	s16 =	simm.s32 $0x28F0;
	v6 =	vmul.f32 v16, v15;
	[tilespmem:s14+$0xFFFFFFB0] =	vst v5;
	v5 =	vld.idx.msk [tilespmem:v14+s13+$0x0], $0xffff  }
.LBB2_18:
0x1bd: {  	v8 =	vld [tilespmem:s16+$0x0];
	[tilespmem:s14+$0xFFFFFFC0] =	vst v7;
	s11 =	sadd.s32 $0x80, s11  }
0x1be: {  	s15 =	sadd.s32 $0x80, s15;
	v0 =	vmul.f32 v2, v0;
	v7 =	vld [tilespmem:s11+$0x0];
	[tilespmem:s14+$0xFFFFFF90] =	vst v6  }
0x1bf: {  	p0 =	slt.u32 s15, $0x3B80;
	v2 =	vld [tilespmem:s11+$0xFFFFFF90]  }
0x1c0: {  	v6 =	vld [tilespmem:s16+$0xFFFFFFA0];
	[tilespmem:s14+$0xFFFFFFD0] =	vst v0;
	v0 =	vmul.f32 v4, v1  }
0x1c1: {  	v1 =	vld [tilespmem:s11+$0xFFFFFFA0]  }
0x1c2: {  	v4 =	vld [tilespmem:s16+$0xFFFFFFB0];
	[tilespmem:s14+$0xFFFFFFE0] =	vst v0;
	v0 =	vmul.f32 v5, v3  }
0x1c3: {  	v3 =	vld [tilespmem:s11+$0xFFFFFFB0]  }
0x1c4: {  	v5 =	vld [tilespmem:s16+$0xFFFFFFC0];
	[tilespmem:s14+$0xFFFFFFF0] =	vst v0  }
0x1c5: {  	v0 =	vld.idx.msk [tilespmem:v8+s12+$0x0], $0xffff  }
0x1c6: {  	v7 =	vld.idx.msk [tilespmem:v7+s13+$0x0], $0xffff  }
0x1c7: {  	v8 =	vld [tilespmem:s11+$0xFFFFFFC0]  }
0x1c8: {  	v9 =	vld [tilespmem:s16+$0xFFFFFFD0]  }
0x1c9: {  	v10 =	vld [tilespmem:s11+$0xFFFFFFD0]  }
0x1ca: {  	v11 =	vld [tilespmem:s16+$0xFFFFFFE0]  }
0x1cb: {  	v12 =	vld [tilespmem:s11+$0xFFFFFFE0]  }
0x1cc: {  	v0 =	vmul.f32 v7, v0;
	v13 =	vld [tilespmem:s16+$0xFFFFFFF0]  }
0x1cd: {  	s14 =	sadd.s32 $0x80, s14;
	v14 =	vld [tilespmem:s11+$0xFFFFFFF0]  }
0x1ce: {  	v7 =	vld [tilespmem:s16+$0xFFFFFF90];
	[tilespmem:s14+$0x0] =	vst v0  }
0x1cf: {  	v15 =	vld.idx.msk [tilespmem:v2+s13+$0x0], $0xffff  }
0x1d0: {  	v0 =	vld.idx.msk [tilespmem:v6+s12+$0x0], $0xffff  }
0x1d1: {  	v1 =	vld.idx.msk [tilespmem:v1+s13+$0x0], $0xffff  }
0x1d2: {  	v4 =	vld.idx.msk [tilespmem:v4+s12+$0x0], $0xffff  }
0x1d3: {  	v3 =	vld.idx.msk [tilespmem:v3+s13+$0x0], $0xffff  }
0x1d4: {  	v5 =	vld.idx.msk [tilespmem:v5+s12+$0x0], $0xffff  }
0x1d5: {  	v6 =	vld.idx.msk [tilespmem:v8+s13+$0x0], $0xffff  }
0x1d6: {  	v8 =	vld.idx.msk [tilespmem:v7+s12+$0x0], $0xffff  }
0x1d7: {  	v1 =	vmul.f32 v1, v0;
	v0 =	vld.idx.msk [tilespmem:v9+s12+$0x0], $0xffff  }
.Ltmp9:
0x1d8: {  	v2 =	vld.idx.msk [tilespmem:v10+s13+$0x0], $0xffff;
	(pc) =	sbr.rel @p0 .LBB2_18-.Ltmp9, $4  }
0x1d9: {  	v3 =	vmul.f32 v3, v4;
	[tilespmem:s14+$0xFFFFFFA0] =	vst v1;
	v1 =	vld.idx.msk [tilespmem:v11+s12+$0x0], $0xffff  }
0x1da: {  	v4 =	vld.idx.msk [tilespmem:v12+s13+$0x0], $0xffff  }
0x1db: {  	v7 =	vmul.f32 v6, v5;
	[tilespmem:s14+$0xFFFFFFB0] =	vst v3;
	v3 =	vld.idx.msk [tilespmem:v13+s12+$0x0], $0xffff  }
0x1dc: {  	s16 =	sadd.s32 $0x80, s16;
	v6 =	vmul.f32 v15, v8;
	v5 =	vld.idx.msk [tilespmem:v14+s13+$0x0], $0xffff  }
0x1dd: {  	_ =	sdelay $0x1  }
0x1de: {  	[tilespmem:s14+$0xFFFFFFC0] =	vst v7;
	v0 =	vmul.f32 v2, v0  }
0x1df: {  	[tilespmem:s14+$0xFFFFFF90] =	vst v6;
	v1 =	vmul.f32 v4, v1  }
0x1e0: {  	[tilespmem:s14+$0xFFFFFFD0] =	vst v0;
	v0 =	vmul.f32 v5, v3  }
0x1e1: {  	s11 =	simm.s32 $0x1400;
	[tilespmem:s14+$0xFFFFFFE0] =	vst v1  }
0x1e2: {  	s12 =	simm.s32 $0x7800;
	s13 =	simm.s32 $0xC800;
	s31 =	simm.s32 $0x3C70;
	[tilespmem:s14+$0xFFFFFFF0] =	vst v0  }
0x1e3: {  	[spmem:s8] =	stream.indirect.scatter.add.f32 [tilespmem:s13], [sflag:$0x1], $0x1, s12, s11, $0xb8;
	[tilespmem:$0x17480] =	vst v63  }
0x1e4: {  	s11 =	simm.s32 $0x8C70;
	v0 =	vld [tilespmem:s31+$0x0]  }
0x1e5: {  	v1 =	vld [tilespmem:s11+$0x0]  }
0x1e6: {  	v2 =	vld [tilespmem:s11+$0xFFFFFF90]  }
0x1e7: {  	v3 =	vld [tilespmem:s31+$0xFFFFFFA0]  }
0x1e8: {  	v4 =	vld [tilespmem:s11+$0xFFFFFFA0]  }
0x1e9: {  	v5 =	vld [tilespmem:s31+$0xFFFFFFB0]  }
0x1ea: {  	v6 =	vld [tilespmem:s11+$0xFFFFFFB0]  }
0x1eb: {  	v7 =	vld [tilespmem:s31+$0xFFFFFFC0]  }
0x1ec: {  	v9 =	vld [tilespmem:s31+$0xFFFFFFD0]  }
0x1ed: {  	v10 =	vld [tilespmem:s11+$0xFFFFFFD0]  }
0x1ee: {  	v11 =	vld [tilespmem:s31+$0xFFFFFFE0]  }
0x1ef: {  	v12 =	vld [tilespmem:s11+$0xFFFFFFE0]  }
0x1f0: {  	v13 =	vld [tilespmem:s31+$0xFFFFFFF0]  }
0x1f1: {  	v14 =	vld [tilespmem:s11+$0xFFFFFFF0]  }
0x1f2: {  	s12 =	simm.s32 $0x14000;
	v15 =	vld [tilespmem:s31+$0xFFFFFF90]  }
0x1f3: {  	s13 =	simm.s32 $0x11800;
	v8 =	vld.idx.msk [tilespmem:v0+s12+$0x0], $0xffff  }
0x1f4: {  	v1 =	vld.idx.msk [tilespmem:v1+s13+$0x0], $0xffff  }
0x1f5: {  	v0 =	vld [tilespmem:s11+$0xFFFFFFC0]  }
0x1f6: {  	v16 =	vld.idx.msk [tilespmem:v2+s13+$0x0], $0xffff  }
0x1f7: {  	v3 =	vld.idx.msk [tilespmem:v3+s12+$0x0], $0xffff  }
0x1f8: {  	v4 =	vld.idx.msk [tilespmem:v4+s13+$0x0], $0xffff  }
0x1f9: {  	v5 =	vld.idx.msk [tilespmem:v5+s12+$0x0], $0xffff  }
0x1fa: {  	v6 =	vld.idx.msk [tilespmem:v6+s13+$0x0], $0xffff  }
0x1fb: {  	v7 =	vld.idx.msk [tilespmem:v7+s12+$0x0], $0xffff  }
0x1fc: {  	v15 =	vld.idx.msk [tilespmem:v15+s12+$0x0], $0xffff  }
0x1fd: {  	v17 =	vld.idx.msk [tilespmem:v0+s13+$0x0], $0xffff  }
0x1fe: {  	v2 =	vld.idx.msk [tilespmem:v10+s13+$0x0], $0xffff  }
0x1ff: {  	v8 =	vmul.f32 v1, v8;
	v1 =	vld.idx.msk [tilespmem:v11+s12+$0x0], $0xffff  }
0x200: {  	s14 =	simm.s32 $0xDC70;
	v3 =	vmul.f32 v4, v3;
	v0 =	vld.idx.msk [tilespmem:v9+s12+$0x0], $0xffff  }
0x201: {  	v5 =	vmul.f32 v6, v5;
	v4 =	vld.idx.msk [tilespmem:v12+s13+$0x0], $0xffff;
	[tilespmem:s14+$0x0] =	vst v8  }
0x202: {  	[tilespmem:s14+$0xFFFFFFA0] =	vst v3;
	v3 =	vld.idx.msk [tilespmem:v13+s12+$0x0], $0xffff;
	v7 =	vmul.f32 v17, v7  }
0x203: {  	s15 =	simm.s32 $0x3C00;
	s16 =	simm.s32 $0x3CF0;
	v6 =	vmul.f32 v16, v15;
	[tilespmem:s14+$0xFFFFFFB0] =	vst v5;
	v5 =	vld.idx.msk [tilespmem:v14+s13+$0x0], $0xffff  }
.LBB2_20:
0x204: {  	v8 =	vld [tilespmem:s16+$0x0];
	[tilespmem:s14+$0xFFFFFFC0] =	vst v7;
	s11 =	sadd.s32 $0x80, s11  }
0x205: {  	s15 =	sadd.s32 $0x80, s15;
	v0 =	vmul.f32 v2, v0;
	v7 =	vld [tilespmem:s11+$0x0];
	[tilespmem:s14+$0xFFFFFF90] =	vst v6  }
0x206: {  	p0 =	slt.u32 s15, $0x4F80;
	v2 =	vld [tilespmem:s11+$0xFFFFFF90]  }
0x207: {  	v6 =	vld [tilespmem:s16+$0xFFFFFFA0];
	[tilespmem:s14+$0xFFFFFFD0] =	vst v0;
	v0 =	vmul.f32 v4, v1  }
0x208: {  	v1 =	vld [tilespmem:s11+$0xFFFFFFA0]  }
0x209: {  	v4 =	vld [tilespmem:s16+$0xFFFFFFB0];
	[tilespmem:s14+$0xFFFFFFE0] =	vst v0;
	v0 =	vmul.f32 v5, v3  }
0x20a: {  	v3 =	vld [tilespmem:s11+$0xFFFFFFB0]  }
0x20b: {  	v5 =	vld [tilespmem:s16+$0xFFFFFFC0];
	[tilespmem:s14+$0xFFFFFFF0] =	vst v0  }
0x20c: {  	v0 =	vld.idx.msk [tilespmem:v8+s12+$0x0], $0xffff  }
0x20d: {  	v7 =	vld.idx.msk [tilespmem:v7+s13+$0x0], $0xffff  }
0x20e: {  	v8 =	vld [tilespmem:s11+$0xFFFFFFC0]  }
0x20f: {  	v9 =	vld [tilespmem:s16+$0xFFFFFFD0]  }
0x210: {  	v10 =	vld [tilespmem:s11+$0xFFFFFFD0]  }
0x211: {  	v11 =	vld [tilespmem:s16+$0xFFFFFFE0]  }
0x212: {  	v12 =	vld [tilespmem:s11+$0xFFFFFFE0]  }
0x213: {  	v0 =	vmul.f32 v7, v0;
	v13 =	vld [tilespmem:s16+$0xFFFFFFF0]  }
0x214: {  	s14 =	sadd.s32 $0x80, s14;
	v14 =	vld [tilespmem:s11+$0xFFFFFFF0]  }
0x215: {  	v7 =	vld [tilespmem:s16+$0xFFFFFF90];
	[tilespmem:s14+$0x0] =	vst v0  }
0x216: {  	v15 =	vld.idx.msk [tilespmem:v2+s13+$0x0], $0xffff  }
0x217: {  	v0 =	vld.idx.msk [tilespmem:v6+s12+$0x0], $0xffff  }
0x218: {  	v1 =	vld.idx.msk [tilespmem:v1+s13+$0x0], $0xffff  }
0x219: {  	v4 =	vld.idx.msk [tilespmem:v4+s12+$0x0], $0xffff  }
0x21a: {  	v3 =	vld.idx.msk [tilespmem:v3+s13+$0x0], $0xffff  }
0x21b: {  	v5 =	vld.idx.msk [tilespmem:v5+s12+$0x0], $0xffff  }
0x21c: {  	v6 =	vld.idx.msk [tilespmem:v8+s13+$0x0], $0xffff  }
0x21d: {  	v8 =	vld.idx.msk [tilespmem:v7+s12+$0x0], $0xffff  }
0x21e: {  	v1 =	vmul.f32 v1, v0;
	v0 =	vld.idx.msk [tilespmem:v9+s12+$0x0], $0xffff  }
.Ltmp10:
0x21f: {  	v2 =	vld.idx.msk [tilespmem:v10+s13+$0x0], $0xffff;
	(pc) =	sbr.rel @p0 .LBB2_20-.Ltmp10, $4  }
0x220: {  	v3 =	vmul.f32 v3, v4;
	[tilespmem:s14+$0xFFFFFFA0] =	vst v1;
	v1 =	vld.idx.msk [tilespmem:v11+s12+$0x0], $0xffff  }
0x221: {  	v4 =	vld.idx.msk [tilespmem:v12+s13+$0x0], $0xffff  }
0x222: {  	v7 =	vmul.f32 v6, v5;
	[tilespmem:s14+$0xFFFFFFB0] =	vst v3;
	v3 =	vld.idx.msk [tilespmem:v13+s12+$0x0], $0xffff  }
0x223: {  	s16 =	sadd.s32 $0x80, s16;
	v6 =	vmul.f32 v15, v8;
	v5 =	vld.idx.msk [tilespmem:v14+s13+$0x0], $0xffff  }
0x224: {  	_ =	sdelay $0x1  }
0x225: {  	[tilespmem:s14+$0xFFFFFFC0] =	vst v7;
	v0 =	vmul.f32 v2, v0  }
0x226: {  	[tilespmem:s14+$0xFFFFFF90] =	vst v6;
	v1 =	vmul.f32 v4, v1  }
0x227: {  	[tilespmem:s14+$0xFFFFFFD0] =	vst v0;
	v0 =	vmul.f32 v5, v3  }
0x228: {  	s11 =	simm.s32 $0x1400;
	[tilespmem:s14+$0xFFFFFFE0] =	vst v1  }
0x229: {  	s12 =	simm.s32 $0x8C00;
	s13 =	simm.s32 $0xDC00;
	s26 =	simm.s32 $0x1;
	[tilespmem:s14+$0xFFFFFFF0] =	vst v0  }
0x22a: {  	[spmem:s8] =	stream.indirect.scatter.add.f32 [tilespmem:s13], [sflag:$0x1], $0x1, s12, s11, $0xb8;
	[tilespmem:$0x17480] =	vst v63  }
0x22b: {  	_ =	swait.ge [sflag:s26], $0x1400  }
0x22c: {  	[sflag:s26] =	ssyncset.done $0x0  }
0x22d: {  	[sflag:s26] =	ssyncadd.s32 $0xFFFFEC00  }
0x22e: {  	_ =	swait.ge [sflag:s26], $0x1400  }
0x22f: {  	[sflag:s26] =	ssyncset.done $0x0  }
0x230: {  	[sflag:s26] =	ssyncadd.s32 $0xFFFFEC00  }
0x231: {  	_ =	swait.ge [sflag:s26], $0x1400  }
0x232: {  	[sflag:s26] =	ssyncset.done $0x0  }
0x233: {  	[sflag:s26] =	ssyncadd.s32 $0xFFFFEC00  }
0x234: {  	_ =	swait.ge [sflag:s26], $0x1400  }
0x235: {  	[sflag:s26] =	ssyncset.done $0x0  }
0x236: {  	[sflag:s26] =	ssyncadd.s32 $0xFFFFEC00  }
0x237: {  	s28 =	simm.s32 $0x16800;
	s29 =	simm.s32 $0x2;
	[bflag:$0x0] =	sbarrier.arrive $0xFFFF  }
0x238: {  	[tilespmem:s28], [sflag:$0x2] =	stream.linear.gather [spmem:s10], $0x280, $0x38;
	[tilespmem:$0x17480] =	vst v63  }
0x239: {  	_ =	swait.ge [sflag:s29], $0x280  }
0x23a: {  	[sflag:s29] =	ssyncset.done $0x0  }
0x23b: {  	s30 =	simm.s32 $0x0;
	[sflag:s29] =	ssyncadd.s32 $0xFFFFFD80  }
0x23c: {  	[hbm4b:s9+s30] =	stream.linear.scatter [tilespmem:s28], [sflag:$0x2], $0x280, $0x38;
	[tilespmem:$0x17480] =	vst v63  }
0x23d: {  	_ =	swait.ge [sflag:s29], $0x280  }
0x23e: {  	[sflag:s29] =	ssyncset.done $0x0  }
0x23f: {  	s31 =	simm.s32 $0x16820;
	[sflag:s29] =	ssyncadd.s32 $0xFFFFFD80  }
0x240: {  	s10 =	sadd.s32 $0x0, s3;
	v0 =	vld [tilespmem:s31+$0xFFFFFFE0]  }
0x241: {  	s9 =	sand.u32 $0x7F80, s10;
	v1 =	vld [tilespmem:s31+$0x0]  }
0x242: {  	s11 =	sand.u32 $0x40, s30;
	s12 =	simm.s32 $0x10;
	s9 =	sadd.s32 $0x11800, s9;
	v2 =	vld [tilespmem:s31+$0x10]  }
0x243: {  	s13 =	simm.s32 $0x20;
	s14 =	sand.u32 $0x50, s12;
	s10 =	sor.u32 s11, s9;
	v3 =	vld [tilespmem:s31+$0xFFFFFFF0]  }
0x244: {  	s16 =	simm.s32 $0x30;
	s15 =	sand.u32 $0x60, s13;
	s8 =	sor.u32 s14, s9;
	v4 =	vld [tilespmem:s10+$0x0]  }
0x245: {  	s18 =	sand.u32 $0x70, s16;
	s17 =	sor.u32 s15, s9;
	v6 =	vld [tilespmem:s8+$0x0]  }
0x246: {  	s19 =	sor.u32 s18, s9;
	v5 =	vld [tilespmem:s17+$0x0]  }
0x247: {  	s20 =	simm.s32 $0x16860;
	v7 =	vld [tilespmem:s19+$0x0]  }
0x248: {  	s21 =	sadd.s32 $0x40, s3;
	v9 =	vld [tilespmem:s20+$0xFFFFFFE0]  }
0x249: {  	s22 =	simm.s32 $0x40;
	s23 =	simm.s32 $0x50;
	s10 =	sand.u32 $0x7F80, s21;
	v8 =	vmul.f32 $-2.000000000e+00, v0;
	v0 =	vld [tilespmem:s20+$0x0]  }
0x24a: {  	s24 =	simm.s32 $0x60;
	s11 =	sand.u32 $0x40, s22;
	s10 =	sadd.s32 $0x11800, s10;
	v10 =	vmul.f32 $-2.000000000e+00, v1;
	v1 =	vld [tilespmem:s20+$0x10]  }
0x24b: {  	s25 =	sand.u32 $0x50, s23;
	s26 =	sand.u32 $0x60, s24;
	s11 =	sor.u32 s11, s10;
	v11 =	vmul.f32 $-2.000000000e+00, v2;
	v2 =	vld [tilespmem:s20+$0xFFFFFFF0];
	v8 =	vmul.f32 v4, v8  }
0x24c: {  	s28 =	simm.s32 $0x70;
	s8 =	simm.s32 $0x16AA0;
	s9 =	sor.u32 s25, s10;
	v5 =	vmul.f32 v5, v10;
	v4 =	vld [tilespmem:s11+$0x0]  }
0x24d: {  	s30 =	sand.u32 $0x70, s28;
	s29 =	sor.u32 s26, s10;
	v7 =	vmul.f32 v7, v11;
	[tilespmem:s8+$0xFFFFFFE0] =	vst v8;
	v8 =	vmul.f32 $-2.000000000e+00, v3;
	v3 =	vld [tilespmem:s9+$0x0]  }
0x24e: {  	s31 =	sor.u32 s30, s10;
	[tilespmem:s8+$0x0] =	vst v5;
	v5 =	vld [tilespmem:s29+$0x0]  }
0x24f: {  	s10 =	simm.s32 $0x80;
	[tilespmem:s8+$0x10] =	vst v7;
	v7 =	vmul.f32 $-2.000000000e+00, v9;
	s9 =	simm.s32 $0x168A0;
	v8 =	vmul.f32 v6, v8;
	v6 =	vld [tilespmem:s31+$0x0]  }
.LBB2_22:
0x250: {  	s11 =	sadd.s32 s10, s3  }
0x251: {  	v9 =	vld [tilespmem:s9+$0xFFFFFFE0];
	[tilespmem:s8+$0xFFFFFFF0] =	vst v8;
	s8 =	sadd.s32 $0x40, s8;
	v8 =	vmov v2;
	s12 =	smov.u32 s10;
	s13 =	sadd.s32 $0x40, s10  }
0x252: {  	p0 =	slt.u32 s10, $0x240;
	s11 =	sand.u32 $0x7F80, s11;
	s14 =	sand.u32 $0x40, s12;
	v4 =	vmul.f32 v4, v7;
	v7 =	vmul.f32 $-2.000000000e+00, v0;
	v0 =	vld [tilespmem:s9+$0x0]  }
0x253: {  	v10 =	vmul.f32 $-2.000000000e+00, v1;
	s15 =	sadd.s32 $0x20, s12;
	s10 =	sadd.s32 $0x11800, s11;
	s11 =	sadd.s32 $0x10, s12;
	v1 =	vld [tilespmem:s9+$0x10];
	v11 =	vmov v3  }
.Ltmp11:
0x254: {  	s14 =	sor.u32 s14, s10;
	v2 =	vld [tilespmem:s9+$0xFFFFFFF0];
	s11 =	sand.u32 $0x50, s11;
	[tilespmem:s8+$0xFFFFFFE0] =	vst v4;
	v5 =	vmul.f32 v5, v7;
	(pc) =	sbr.rel @p0 .LBB2_22-.Ltmp11, $4  }
0x255: {  	s12 =	sadd.s32 $0x30, s12;
	v7 =	vmul.f32 $-2.000000000e+00, v8;
	v4 =	vld [tilespmem:s14+$0x0];
	s11 =	sor.u32 s11, s10;
	s14 =	sand.u32 $0x60, s15;
	v6 =	vmul.f32 v6, v10  }
0x256: {  	s12 =	sand.u32 $0x70, s12;
	v3 =	vld [tilespmem:s11+$0x0];
	s11 =	sor.u32 s14, s10;
	[tilespmem:s8+$0x0] =	vst v5  }
0x257: {  	s10 =	sor.u32 s12, s10;
	v8 =	vmul.f32 v11, v7;
	v5 =	vld [tilespmem:s11+$0x0];
	[tilespmem:s8+$0x10] =	vst v6  }
0x258: {  	s9 =	sadd.s32 $0x40, s9;
	v7 =	vmul.f32 $-2.000000000e+00, v9;
	v6 =	vld [tilespmem:s10+$0x0];
	s10 =	smov.u32 s13  }
0x259: {  	_ = 	snop  }
0x25a: {  	v0 =	vmul.f32 $-2.000000000e+00, v0  }
0x25b: {  	v1 =	vmul.f32 $-2.000000000e+00, v1;
	v4 =	vmul.f32 v4, v7  }
0x25c: {  	[tilespmem:s8+$0xFFFFFFF0] =	vst v8;
	s29 =	sadd.s32 $0x40, s8;
	v2 =	vmul.f32 $-2.000000000e+00, v2;
	v0 =	vmul.f32 v5, v0  }
0x25d: {  	[tilespmem:s29+$0xFFFFFFE0] =	vst v4;
	v1 =	vmul.f32 v6, v1  }
0x25e: {  	[tilespmem:s29+$0x0] =	vst v0;
	v0 =	vmul.f32 v3, v2  }
0x25f: {  	[tilespmem:s29+$0x10] =	vst v1  }
0x260: {  	s30 =	simm.s32 $0x16A80;
	s31 =	simm.s32 $0x2;
	[tilespmem:s29+$0xFFFFFFF0] =	vst v0  }
0x261: {  	[spmem:s7] =	stream.linear.scatter [tilespmem:s30], [sflag:$0x2], $0x280, $0x38;
	[tilespmem:$0x17480] =	vst v63  }
0x262: {  	_ =	swait.ge [sflag:s31], $0x280  }
0x263: {  	[sflag:s31] =	ssyncset.done $0x0  }
0x264: {  	v0 =	vimm.f32 $0.0e+00;
	s7 =	simm.s32 $0x16840;
	[sflag:s31] =	ssyncadd.s32 $0xFFFFFD80  }
0x265: {  	[tilespmem:s7+$0xFFFFFFC0] =	vst v0  }
0x266: {  	[tilespmem:s7+$0x30] =	vst v0  }
0x267: {  	[tilespmem:s7+$0x20] =	vst v0  }
0x268: {  	[tilespmem:s7+$0x10] =	vst v0  }
0x269: {  	[tilespmem:s7+$0x0] =	vst v0  }
0x26a: {  	[tilespmem:s7+$0xFFFFFFF0] =	vst v0  }
0x26b: {  	s8 =	simm.s32 $0x0;
	[tilespmem:s7+$0xFFFFFFE0] =	vst v0  }
.LBB2_24:
0x26c: {  	s8 =	sadd.s32 $0x80, s8;
	[tilespmem:s7+$0xFFFFFFD0] =	vst v0;
	s7 =	sadd.s32 $0x80, s7  }
0x26d: {  	[tilespmem:s7+$0xFFFFFFC0] =	vst v0;
	p0 =	slt.u32 s8, $0x200  }
0x26e: {  	[tilespmem:s7+$0x30] =	vst v0  }
.Ltmp12:
0x26f: {  	[tilespmem:s7+$0x20] =	vst v0;
	(pc) =	sbr.rel @p0 .LBB2_24-.Ltmp12, $4  }
0x270: {  	[tilespmem:s7+$0x10] =	vst v0  }
0x271: {  	[tilespmem:s7+$0x0] =	vst v0  }
0x272: {  	[tilespmem:s7+$0xFFFFFFF0] =	vst v0  }
0x273: {  	[tilespmem:s7+$0xFFFFFFE0] =	vst v0  }
0x274: {  	[tilespmem:s7+$0xFFFFFFD0] =	vst v0;
	s31 =	simm.s32 $0x16800;
	s8 =	simm.s32 $0x2  }
0x275: {  	[spmem:s5] =	stream.linear.scatter [tilespmem:s31], [sflag:$0x2], $0x280, $0x38;
	[tilespmem:$0x17480] =	vst v63  }
0x276: {  	_ =	swait.ge [sflag:s8], $0x280  }
0x277: {  	[sflag:s8] =	ssyncset.done $0x0  }
0x278: {  	[sflag:s8] =	ssyncadd.s32 $0xFFFFFD80  }
0x279: {  	s7 =	simm.s32 $0x14000;
	[bflag:$0x0] =	sbarrier.arrive $0xFFFF  }
0x27a: {  	[tilespmem:s7], [sflag:$0x2] =	stream.linear.gather [spmem:s6], $0x2800, $0x38;
	[tilespmem:$0x17480] =	vst v63  }
0x27b: {  	_ =	swait.ge [sflag:s8], $0x2800  }
0x27c: {  	[sflag:s8] =	ssyncset.done $0x0  }
0x27d: {  	s9 =	simm.s32 $0x40;
	[sflag:s8] =	ssyncadd.s32 $0xFFFFD800  }
0x27e: {  	s6 =	simm.s32 $0x5040;
	v0 =	vld [tilespmem:s9+$0x30]  }
0x27f: {  	v1 =	vld [tilespmem:s6+$0x30]  }
0x280: {  	v2 =	vld [tilespmem:s6+$0xFFFFFFC0]  }
0x281: {  	v3 =	vld [tilespmem:s9+$0xFFFFFFD0]  }
0x282: {  	v4 =	vld [tilespmem:s6+$0xFFFFFFD0]  }
0x283: {  	v5 =	vld [tilespmem:s9+$0xFFFFFFE0]  }
0x284: {  	v6 =	vld [tilespmem:s6+$0xFFFFFFE0]  }
0x285: {  	v7 =	vld [tilespmem:s9+$0xFFFFFFF0]  }
0x286: {  	v9 =	vld [tilespmem:s9+$0x0]  }
0x287: {  	v10 =	vld [tilespmem:s6+$0x0]  }
0x288: {  	v11 =	vld [tilespmem:s9+$0x10]  }
0x289: {  	v12 =	vld [tilespmem:s6+$0x10]  }
0x28a: {  	v13 =	vld [tilespmem:s9+$0x20]  }
0x28b: {  	v14 =	vld [tilespmem:s6+$0x20]  }
0x28c: {  	v15 =	vld [tilespmem:s9+$0xFFFFFFC0]  }
0x28d: {  	s8 =	simm.s32 $0x11800;
	v8 =	vld.idx.msk [tilespmem:v0+s7+$0x0], $0xffff  }
0x28e: {  	v1 =	vld.idx.msk [tilespmem:v1+s8+$0x0], $0xffff  }
0x28f: {  	v0 =	vld [tilespmem:s6+$0xFFFFFFF0]  }
0x290: {  	v16 =	vld.idx.msk [tilespmem:v2+s8+$0x0], $0xffff  }
0x291: {  	v3 =	vld.idx.msk [tilespmem:v3+s7+$0x0], $0xffff  }
0x292: {  	v4 =	vld.idx.msk [tilespmem:v4+s8+$0x0], $0xffff  }
0x293: {  	v5 =	vld.idx.msk [tilespmem:v5+s7+$0x0], $0xffff  }
0x294: {  	v6 =	vld.idx.msk [tilespmem:v6+s8+$0x0], $0xffff  }
0x295: {  	v7 =	vld.idx.msk [tilespmem:v7+s7+$0x0], $0xffff  }
0x296: {  	v15 =	vld.idx.msk [tilespmem:v15+s7+$0x0], $0xffff  }
0x297: {  	v17 =	vld.idx.msk [tilespmem:v0+s8+$0x0], $0xffff  }
0x298: {  	v2 =	vld.idx.msk [tilespmem:v10+s8+$0x0], $0xffff  }
0x299: {  	v8 =	vmul.f32 v1, v8;
	v1 =	vld.idx.msk [tilespmem:v11+s7+$0x0], $0xffff  }
0x29a: {  	s9 =	simm.s32 $0xA040;
	v3 =	vmul.f32 v4, v3;
	v0 =	vld.idx.msk [tilespmem:v9+s7+$0x0], $0xffff  }
0x29b: {  	v5 =	vmul.f32 v6, v5;
	v4 =	vld.idx.msk [tilespmem:v12+s8+$0x0], $0xffff;
	[tilespmem:s9+$0x30] =	vst v8  }
0x29c: {  	[tilespmem:s9+$0xFFFFFFD0] =	vst v3;
	v3 =	vld.idx.msk [tilespmem:v13+s7+$0x0], $0xffff;
	v7 =	vmul.f32 v17, v7  }
0x29d: {  	s10 =	simm.s32 $0x0;
	s11 =	simm.s32 $0xC0;
	v6 =	vmul.f32 v16, v15;
	[tilespmem:s9+$0xFFFFFFE0] =	vst v5;
	v5 =	vld.idx.msk [tilespmem:v14+s8+$0x0], $0xffff  }
.LBB2_26:
0x29e: {  	v8 =	vld [tilespmem:s11+$0x30];
	[tilespmem:s9+$0xFFFFFFF0] =	vst v7;
	s6 =	sadd.s32 $0x80, s6  }
0x29f: {  	s10 =	sadd.s32 $0x80, s10;
	v0 =	vmul.f32 v2, v0;
	v7 =	vld [tilespmem:s6+$0x30];
	[tilespmem:s9+$0xFFFFFFC0] =	vst v6  }
0x2a0: {  	p0 =	slt.u32 s10, $0x1380;
	v2 =	vld [tilespmem:s6+$0xFFFFFFC0]  }
0x2a1: {  	v6 =	vld [tilespmem:s11+$0xFFFFFFD0];
	[tilespmem:s9+$0x0] =	vst v0;
	v0 =	vmul.f32 v4, v1  }
0x2a2: {  	v1 =	vld [tilespmem:s6+$0xFFFFFFD0]  }
0x2a3: {  	v4 =	vld [tilespmem:s11+$0xFFFFFFE0];
	[tilespmem:s9+$0x10] =	vst v0;
	v0 =	vmul.f32 v5, v3  }
0x2a4: {  	v3 =	vld [tilespmem:s6+$0xFFFFFFE0]  }
0x2a5: {  	v5 =	vld [tilespmem:s11+$0xFFFFFFF0];
	[tilespmem:s9+$0x20] =	vst v0  }
0x2a6: {  	v0 =	vld.idx.msk [tilespmem:v8+s7+$0x0], $0xffff  }
0x2a7: {  	v7 =	vld.idx.msk [tilespmem:v7+s8+$0x0], $0xffff  }
0x2a8: {  	v8 =	vld [tilespmem:s6+$0xFFFFFFF0]  }
0x2a9: {  	v9 =	vld [tilespmem:s11+$0x0]  }
0x2aa: {  	v10 =	vld [tilespmem:s6+$0x0]  }
0x2ab: {  	v11 =	vld [tilespmem:s11+$0x10]  }
0x2ac: {  	v12 =	vld [tilespmem:s6+$0x10]  }
0x2ad: {  	v0 =	vmul.f32 v7, v0;
	v13 =	vld [tilespmem:s11+$0x20]  }
0x2ae: {  	s9 =	sadd.s32 $0x80, s9;
	v14 =	vld [tilespmem:s6+$0x20]  }
0x2af: {  	v7 =	vld [tilespmem:s11+$0xFFFFFFC0];
	[tilespmem:s9+$0x30] =	vst v0  }
0x2b0: {  	v15 =	vld.idx.msk [tilespmem:v2+s8+$0x0], $0xffff  }
0x2b1: {  	v0 =	vld.idx.msk [tilespmem:v6+s7+$0x0], $0xffff  }
0x2b2: {  	v1 =	vld.idx.msk [tilespmem:v1+s8+$0x0], $0xffff  }
0x2b3: {  	v4 =	vld.idx.msk [tilespmem:v4+s7+$0x0], $0xffff  }
0x2b4: {  	v3 =	vld.idx.msk [tilespmem:v3+s8+$0x0], $0xffff  }
0x2b5: {  	v5 =	vld.idx.msk [tilespmem:v5+s7+$0x0], $0xffff  }
0x2b6: {  	v6 =	vld.idx.msk [tilespmem:v8+s8+$0x0], $0xffff  }
0x2b7: {  	v8 =	vld.idx.msk [tilespmem:v7+s7+$0x0], $0xffff  }
0x2b8: {  	v1 =	vmul.f32 v1, v0;
	v0 =	vld.idx.msk [tilespmem:v9+s7+$0x0], $0xffff  }
.Ltmp13:
0x2b9: {  	v2 =	vld.idx.msk [tilespmem:v10+s8+$0x0], $0xffff;
	(pc) =	sbr.rel @p0 .LBB2_26-.Ltmp13, $4  }
0x2ba: {  	v3 =	vmul.f32 v3, v4;
	[tilespmem:s9+$0xFFFFFFD0] =	vst v1;
	v1 =	vld.idx.msk [tilespmem:v11+s7+$0x0], $0xffff  }
0x2bb: {  	v4 =	vld.idx.msk [tilespmem:v12+s8+$0x0], $0xffff  }
0x2bc: {  	v7 =	vmul.f32 v6, v5;
	[tilespmem:s9+$0xFFFFFFE0] =	vst v3;
	v3 =	vld.idx.msk [tilespmem:v13+s7+$0x0], $0xffff  }
0x2bd: {  	s11 =	sadd.s32 $0x80, s11;
	v6 =	vmul.f32 v15, v8;
	v5 =	vld.idx.msk [tilespmem:v14+s8+$0x0], $0xffff  }
0x2be: {  	_ =	sdelay $0x1  }
0x2bf: {  	[tilespmem:s9+$0xFFFFFFF0] =	vst v7;
	v0 =	vmul.f32 v2, v0  }
0x2c0: {  	[tilespmem:s9+$0xFFFFFFC0] =	vst v6;
	v1 =	vmul.f32 v4, v1  }
0x2c1: {  	[tilespmem:s9+$0x0] =	vst v0;
	v0 =	vmul.f32 v5, v3  }
0x2c2: {  	s6 =	simm.s32 $0x1400;
	[tilespmem:s9+$0x10] =	vst v1  }
0x2c3: {  	s7 =	simm.s32 $0x5000;
	s8 =	simm.s32 $0xA000;
	s31 =	simm.s32 $0x1470;
	[tilespmem:s9+$0x20] =	vst v0  }
0x2c4: {  	[spmem:s4] =	stream.indirect.scatter.add.f32 [tilespmem:s8], [sflag:$0x1], $0x1, s7, s6, $0xb8;
	[tilespmem:$0x17480] =	vst v63  }
0x2c5: {  	s6 =	simm.s32 $0x6470;
	v0 =	vld [tilespmem:s31+$0x0]  }
0x2c6: {  	v1 =	vld [tilespmem:s6+$0x0]  }
0x2c7: {  	v2 =	vld [tilespmem:s6+$0xFFFFFF90]  }
0x2c8: {  	v3 =	vld [tilespmem:s31+$0xFFFFFFA0]  }
0x2c9: {  	v4 =	vld [tilespmem:s6+$0xFFFFFFA0]  }
0x2ca: {  	v5 =	vld [tilespmem:s31+$0xFFFFFFB0]  }
0x2cb: {  	v6 =	vld [tilespmem:s6+$0xFFFFFFB0]  }
0x2cc: {  	v7 =	vld [tilespmem:s31+$0xFFFFFFC0]  }
0x2cd: {  	v9 =	vld [tilespmem:s31+$0xFFFFFFD0]  }
0x2ce: {  	v10 =	vld [tilespmem:s6+$0xFFFFFFD0]  }
0x2cf: {  	v11 =	vld [tilespmem:s31+$0xFFFFFFE0]  }
0x2d0: {  	v12 =	vld [tilespmem:s6+$0xFFFFFFE0]  }
0x2d1: {  	v13 =	vld [tilespmem:s31+$0xFFFFFFF0]  }
0x2d2: {  	v14 =	vld [tilespmem:s6+$0xFFFFFFF0]  }
0x2d3: {  	s7 =	simm.s32 $0x14000;
	v15 =	vld [tilespmem:s31+$0xFFFFFF90]  }
0x2d4: {  	s8 =	simm.s32 $0x11800;
	v8 =	vld.idx.msk [tilespmem:v0+s7+$0x0], $0xffff  }
0x2d5: {  	v1 =	vld.idx.msk [tilespmem:v1+s8+$0x0], $0xffff  }
0x2d6: {  	v0 =	vld [tilespmem:s6+$0xFFFFFFC0]  }
0x2d7: {  	v16 =	vld.idx.msk [tilespmem:v2+s8+$0x0], $0xffff  }
0x2d8: {  	v3 =	vld.idx.msk [tilespmem:v3+s7+$0x0], $0xffff  }
0x2d9: {  	v4 =	vld.idx.msk [tilespmem:v4+s8+$0x0], $0xffff  }
0x2da: {  	v5 =	vld.idx.msk [tilespmem:v5+s7+$0x0], $0xffff  }
0x2db: {  	v6 =	vld.idx.msk [tilespmem:v6+s8+$0x0], $0xffff  }
0x2dc: {  	v7 =	vld.idx.msk [tilespmem:v7+s7+$0x0], $0xffff  }
0x2dd: {  	v15 =	vld.idx.msk [tilespmem:v15+s7+$0x0], $0xffff  }
0x2de: {  	v17 =	vld.idx.msk [tilespmem:v0+s8+$0x0], $0xffff  }
0x2df: {  	v2 =	vld.idx.msk [tilespmem:v10+s8+$0x0], $0xffff  }
0x2e0: {  	v8 =	vmul.f32 v1, v8;
	v1 =	vld.idx.msk [tilespmem:v11+s7+$0x0], $0xffff  }
0x2e1: {  	s9 =	simm.s32 $0xB470;
	v3 =	vmul.f32 v4, v3;
	v0 =	vld.idx.msk [tilespmem:v9+s7+$0x0], $0xffff  }
0x2e2: {  	v5 =	vmul.f32 v6, v5;
	v4 =	vld.idx.msk [tilespmem:v12+s8+$0x0], $0xffff;
	[tilespmem:s9+$0x0] =	vst v8  }
0x2e3: {  	[tilespmem:s9+$0xFFFFFFA0] =	vst v3;
	v3 =	vld.idx.msk [tilespmem:v13+s7+$0x0], $0xffff;
	v7 =	vmul.f32 v17, v7  }
0x2e4: {  	s10 =	simm.s32 $0x1400;
	s11 =	simm.s32 $0x14F0;
	v6 =	vmul.f32 v16, v15;
	[tilespmem:s9+$0xFFFFFFB0] =	vst v5;
	v5 =	vld.idx.msk [tilespmem:v14+s8+$0x0], $0xffff  }
.LBB2_28:
0x2e5: {  	v8 =	vld [tilespmem:s11+$0x0];
	[tilespmem:s9+$0xFFFFFFC0] =	vst v7;
	s6 =	sadd.s32 $0x80, s6  }
0x2e6: {  	s10 =	sadd.s32 $0x80, s10;
	v0 =	vmul.f32 v2, v0;
	v7 =	vld [tilespmem:s6+$0x0];
	[tilespmem:s9+$0xFFFFFF90] =	vst v6  }
0x2e7: {  	p0 =	slt.u32 s10, $0x2780;
	v2 =	vld [tilespmem:s6+$0xFFFFFF90]  }
0x2e8: {  	v6 =	vld [tilespmem:s11+$0xFFFFFFA0];
	[tilespmem:s9+$0xFFFFFFD0] =	vst v0;
	v0 =	vmul.f32 v4, v1  }
0x2e9: {  	v1 =	vld [tilespmem:s6+$0xFFFFFFA0]  }
0x2ea: {  	v4 =	vld [tilespmem:s11+$0xFFFFFFB0];
	[tilespmem:s9+$0xFFFFFFE0] =	vst v0;
	v0 =	vmul.f32 v5, v3  }
0x2eb: {  	v3 =	vld [tilespmem:s6+$0xFFFFFFB0]  }
0x2ec: {  	v5 =	vld [tilespmem:s11+$0xFFFFFFC0];
	[tilespmem:s9+$0xFFFFFFF0] =	vst v0  }
0x2ed: {  	v0 =	vld.idx.msk [tilespmem:v8+s7+$0x0], $0xffff  }
0x2ee: {  	v7 =	vld.idx.msk [tilespmem:v7+s8+$0x0], $0xffff  }
0x2ef: {  	v8 =	vld [tilespmem:s6+$0xFFFFFFC0]  }
0x2f0: {  	v9 =	vld [tilespmem:s11+$0xFFFFFFD0]  }
0x2f1: {  	v10 =	vld [tilespmem:s6+$0xFFFFFFD0]  }
0x2f2: {  	v11 =	vld [tilespmem:s11+$0xFFFFFFE0]  }
0x2f3: {  	v12 =	vld [tilespmem:s6+$0xFFFFFFE0]  }
0x2f4: {  	v0 =	vmul.f32 v7, v0;
	v13 =	vld [tilespmem:s11+$0xFFFFFFF0]  }
0x2f5: {  	s9 =	sadd.s32 $0x80, s9;
	v14 =	vld [tilespmem:s6+$0xFFFFFFF0]  }
0x2f6: {  	v7 =	vld [tilespmem:s11+$0xFFFFFF90];
	[tilespmem:s9+$0x0] =	vst v0  }
0x2f7: {  	v15 =	vld.idx.msk [tilespmem:v2+s8+$0x0], $0xffff  }
0x2f8: {  	v0 =	vld.idx.msk [tilespmem:v6+s7+$0x0], $0xffff  }
0x2f9: {  	v1 =	vld.idx.msk [tilespmem:v1+s8+$0x0], $0xffff  }
0x2fa: {  	v4 =	vld.idx.msk [tilespmem:v4+s7+$0x0], $0xffff  }
0x2fb: {  	v3 =	vld.idx.msk [tilespmem:v3+s8+$0x0], $0xffff  }
0x2fc: {  	v5 =	vld.idx.msk [tilespmem:v5+s7+$0x0], $0xffff  }
0x2fd: {  	v6 =	vld.idx.msk [tilespmem:v8+s8+$0x0], $0xffff  }
0x2fe: {  	v8 =	vld.idx.msk [tilespmem:v7+s7+$0x0], $0xffff  }
0x2ff: {  	v1 =	vmul.f32 v1, v0;
	v0 =	vld.idx.msk [tilespmem:v9+s7+$0x0], $0xffff  }
.Ltmp14:
0x300: {  	v2 =	vld.idx.msk [tilespmem:v10+s8+$0x0], $0xffff;
	(pc) =	sbr.rel @p0 .LBB2_28-.Ltmp14, $4  }
0x301: {  	v3 =	vmul.f32 v3, v4;
	[tilespmem:s9+$0xFFFFFFA0] =	vst v1;
	v1 =	vld.idx.msk [tilespmem:v11+s7+$0x0], $0xffff  }
0x302: {  	v4 =	vld.idx.msk [tilespmem:v12+s8+$0x0], $0xffff  }
0x303: {  	v7 =	vmul.f32 v6, v5;
	[tilespmem:s9+$0xFFFFFFB0] =	vst v3;
	v3 =	vld.idx.msk [tilespmem:v13+s7+$0x0], $0xffff  }
0x304: {  	s11 =	sadd.s32 $0x80, s11;
	v6 =	vmul.f32 v15, v8;
	v5 =	vld.idx.msk [tilespmem:v14+s8+$0x0], $0xffff  }
0x305: {  	_ =	sdelay $0x1  }
0x306: {  	[tilespmem:s9+$0xFFFFFFC0] =	vst v7;
	v0 =	vmul.f32 v2, v0  }
0x307: {  	[tilespmem:s9+$0xFFFFFF90] =	vst v6;
	v1 =	vmul.f32 v4, v1  }
0x308: {  	[tilespmem:s9+$0xFFFFFFD0] =	vst v0;
	v0 =	vmul.f32 v5, v3  }
0x309: {  	s6 =	simm.s32 $0x1400;
	[tilespmem:s9+$0xFFFFFFE0] =	vst v1  }
0x30a: {  	s7 =	simm.s32 $0x6400;
	s8 =	simm.s32 $0xB400;
	s31 =	simm.s32 $0x2870;
	[tilespmem:s9+$0xFFFFFFF0] =	vst v0  }
0x30b: {  	[spmem:s4] =	stream.indirect.scatter.add.f32 [tilespmem:s8], [sflag:$0x1], $0x1, s7, s6, $0xb8;
	[tilespmem:$0x17480] =	vst v63  }
0x30c: {  	s6 =	simm.s32 $0x7870;
	v0 =	vld [tilespmem:s31+$0x0]  }
0x30d: {  	v1 =	vld [tilespmem:s6+$0x0]  }
0x30e: {  	v2 =	vld [tilespmem:s6+$0xFFFFFF90]  }
0x30f: {  	v3 =	vld [tilespmem:s31+$0xFFFFFFA0]  }
0x310: {  	v4 =	vld [tilespmem:s6+$0xFFFFFFA0]  }
0x311: {  	v5 =	vld [tilespmem:s31+$0xFFFFFFB0]  }
0x312: {  	v6 =	vld [tilespmem:s6+$0xFFFFFFB0]  }
0x313: {  	v7 =	vld [tilespmem:s31+$0xFFFFFFC0]  }
0x314: {  	v9 =	vld [tilespmem:s31+$0xFFFFFFD0]  }
0x315: {  	v10 =	vld [tilespmem:s6+$0xFFFFFFD0]  }
0x316: {  	v11 =	vld [tilespmem:s31+$0xFFFFFFE0]  }
0x317: {  	v12 =	vld [tilespmem:s6+$0xFFFFFFE0]  }
0x318: {  	v13 =	vld [tilespmem:s31+$0xFFFFFFF0]  }
0x319: {  	v14 =	vld [tilespmem:s6+$0xFFFFFFF0]  }
0x31a: {  	s7 =	simm.s32 $0x14000;
	v15 =	vld [tilespmem:s31+$0xFFFFFF90]  }
0x31b: {  	s8 =	simm.s32 $0x11800;
	v8 =	vld.idx.msk [tilespmem:v0+s7+$0x0], $0xffff  }
0x31c: {  	v1 =	vld.idx.msk [tilespmem:v1+s8+$0x0], $0xffff  }
0x31d: {  	v0 =	vld [tilespmem:s6+$0xFFFFFFC0]  }
0x31e: {  	v16 =	vld.idx.msk [tilespmem:v2+s8+$0x0], $0xffff  }
0x31f: {  	v3 =	vld.idx.msk [tilespmem:v3+s7+$0x0], $0xffff  }
0x320: {  	v4 =	vld.idx.msk [tilespmem:v4+s8+$0x0], $0xffff  }
0x321: {  	v5 =	vld.idx.msk [tilespmem:v5+s7+$0x0], $0xffff  }
0x322: {  	v6 =	vld.idx.msk [tilespmem:v6+s8+$0x0], $0xffff  }
0x323: {  	v7 =	vld.idx.msk [tilespmem:v7+s7+$0x0], $0xffff  }
0x324: {  	v15 =	vld.idx.msk [tilespmem:v15+s7+$0x0], $0xffff  }
0x325: {  	v17 =	vld.idx.msk [tilespmem:v0+s8+$0x0], $0xffff  }
0x326: {  	v2 =	vld.idx.msk [tilespmem:v10+s8+$0x0], $0xffff  }
0x327: {  	v8 =	vmul.f32 v1, v8;
	v1 =	vld.idx.msk [tilespmem:v11+s7+$0x0], $0xffff  }
0x328: {  	s9 =	simm.s32 $0xC870;
	v3 =	vmul.f32 v4, v3;
	v0 =	vld.idx.msk [tilespmem:v9+s7+$0x0], $0xffff  }
0x329: {  	v5 =	vmul.f32 v6, v5;
	v4 =	vld.idx.msk [tilespmem:v12+s8+$0x0], $0xffff;
	[tilespmem:s9+$0x0] =	vst v8  }
0x32a: {  	[tilespmem:s9+$0xFFFFFFA0] =	vst v3;
	v3 =	vld.idx.msk [tilespmem:v13+s7+$0x0], $0xffff;
	v7 =	vmul.f32 v17, v7  }
0x32b: {  	s10 =	simm.s32 $0x2800;
	s11 =	simm.s32 $0x28F0;
	v6 =	vmul.f32 v16, v15;
	[tilespmem:s9+$0xFFFFFFB0] =	vst v5;
	v5 =	vld.idx.msk [tilespmem:v14+s8+$0x0], $0xffff  }
.LBB2_30:
0x32c: {  	v8 =	vld [tilespmem:s11+$0x0];
	[tilespmem:s9+$0xFFFFFFC0] =	vst v7;
	s6 =	sadd.s32 $0x80, s6  }
0x32d: {  	s10 =	sadd.s32 $0x80, s10;
	v0 =	vmul.f32 v2, v0;
	v7 =	vld [tilespmem:s6+$0x0];
	[tilespmem:s9+$0xFFFFFF90] =	vst v6  }
0x32e: {  	p0 =	slt.u32 s10, $0x3B80;
	v2 =	vld [tilespmem:s6+$0xFFFFFF90]  }
0x32f: {  	v6 =	vld [tilespmem:s11+$0xFFFFFFA0];
	[tilespmem:s9+$0xFFFFFFD0] =	vst v0;
	v0 =	vmul.f32 v4, v1  }
0x330: {  	v1 =	vld [tilespmem:s6+$0xFFFFFFA0]  }
0x331: {  	v4 =	vld [tilespmem:s11+$0xFFFFFFB0];
	[tilespmem:s9+$0xFFFFFFE0] =	vst v0;
	v0 =	vmul.f32 v5, v3  }
0x332: {  	v3 =	vld [tilespmem:s6+$0xFFFFFFB0]  }
0x333: {  	v5 =	vld [tilespmem:s11+$0xFFFFFFC0];
	[tilespmem:s9+$0xFFFFFFF0] =	vst v0  }
0x334: {  	v0 =	vld.idx.msk [tilespmem:v8+s7+$0x0], $0xffff  }
0x335: {  	v7 =	vld.idx.msk [tilespmem:v7+s8+$0x0], $0xffff  }
0x336: {  	v8 =	vld [tilespmem:s6+$0xFFFFFFC0]  }
0x337: {  	v9 =	vld [tilespmem:s11+$0xFFFFFFD0]  }
0x338: {  	v10 =	vld [tilespmem:s6+$0xFFFFFFD0]  }
0x339: {  	v11 =	vld [tilespmem:s11+$0xFFFFFFE0]  }
0x33a: {  	v12 =	vld [tilespmem:s6+$0xFFFFFFE0]  }
0x33b: {  	v0 =	vmul.f32 v7, v0;
	v13 =	vld [tilespmem:s11+$0xFFFFFFF0]  }
0x33c: {  	s9 =	sadd.s32 $0x80, s9;
	v14 =	vld [tilespmem:s6+$0xFFFFFFF0]  }
0x33d: {  	v7 =	vld [tilespmem:s11+$0xFFFFFF90];
	[tilespmem:s9+$0x0] =	vst v0  }
0x33e: {  	v15 =	vld.idx.msk [tilespmem:v2+s8+$0x0], $0xffff  }
0x33f: {  	v0 =	vld.idx.msk [tilespmem:v6+s7+$0x0], $0xffff  }
0x340: {  	v1 =	vld.idx.msk [tilespmem:v1+s8+$0x0], $0xffff  }
0x341: {  	v4 =	vld.idx.msk [tilespmem:v4+s7+$0x0], $0xffff  }
0x342: {  	v3 =	vld.idx.msk [tilespmem:v3+s8+$0x0], $0xffff  }
0x343: {  	v5 =	vld.idx.msk [tilespmem:v5+s7+$0x0], $0xffff  }
0x344: {  	v6 =	vld.idx.msk [tilespmem:v8+s8+$0x0], $0xffff  }
0x345: {  	v8 =	vld.idx.msk [tilespmem:v7+s7+$0x0], $0xffff  }
0x346: {  	v1 =	vmul.f32 v1, v0;
	v0 =	vld.idx.msk [tilespmem:v9+s7+$0x0], $0xffff  }
.Ltmp15:
0x347: {  	v2 =	vld.idx.msk [tilespmem:v10+s8+$0x0], $0xffff;
	(pc) =	sbr.rel @p0 .LBB2_30-.Ltmp15, $4  }
0x348: {  	v3 =	vmul.f32 v3, v4;
	[tilespmem:s9+$0xFFFFFFA0] =	vst v1;
	v1 =	vld.idx.msk [tilespmem:v11+s7+$0x0], $0xffff  }
0x349: {  	v4 =	vld.idx.msk [tilespmem:v12+s8+$0x0], $0xffff  }
0x34a: {  	v7 =	vmul.f32 v6, v5;
	[tilespmem:s9+$0xFFFFFFB0] =	vst v3;
	v3 =	vld.idx.msk [tilespmem:v13+s7+$0x0], $0xffff  }
0x34b: {  	s11 =	sadd.s32 $0x80, s11;
	v6 =	vmul.f32 v15, v8;
	v5 =	vld.idx.msk [tilespmem:v14+s8+$0x0], $0xffff  }
0x34c: {  	_ =	sdelay $0x1  }
0x34d: {  	[tilespmem:s9+$0xFFFFFFC0] =	vst v7;
	v0 =	vmul.f32 v2, v0  }
0x34e: {  	[tilespmem:s9+$0xFFFFFF90] =	vst v6;
	v1 =	vmul.f32 v4, v1  }
0x34f: {  	[tilespmem:s9+$0xFFFFFFD0] =	vst v0;
	v0 =	vmul.f32 v5, v3  }
0x350: {  	s6 =	simm.s32 $0x1400;
	[tilespmem:s9+$0xFFFFFFE0] =	vst v1  }
0x351: {  	s7 =	simm.s32 $0x7800;
	s8 =	simm.s32 $0xC800;
	s31 =	simm.s32 $0x3C70;
	[tilespmem:s9+$0xFFFFFFF0] =	vst v0  }
0x352: {  	[spmem:s4] =	stream.indirect.scatter.add.f32 [tilespmem:s8], [sflag:$0x1], $0x1, s7, s6, $0xb8;
	[tilespmem:$0x17480] =	vst v63  }
0x353: {  	s6 =	simm.s32 $0x8C70;
	v0 =	vld [tilespmem:s31+$0x0]  }
0x354: {  	v1 =	vld [tilespmem:s6+$0x0]  }
0x355: {  	v2 =	vld [tilespmem:s6+$0xFFFFFF90]  }
0x356: {  	v3 =	vld [tilespmem:s31+$0xFFFFFFA0]  }
0x357: {  	v4 =	vld [tilespmem:s6+$0xFFFFFFA0]  }
0x358: {  	v5 =	vld [tilespmem:s31+$0xFFFFFFB0]  }
0x359: {  	v6 =	vld [tilespmem:s6+$0xFFFFFFB0]  }
0x35a: {  	v7 =	vld [tilespmem:s31+$0xFFFFFFC0]  }
0x35b: {  	v9 =	vld [tilespmem:s31+$0xFFFFFFD0]  }
0x35c: {  	v10 =	vld [tilespmem:s6+$0xFFFFFFD0]  }
0x35d: {  	v11 =	vld [tilespmem:s31+$0xFFFFFFE0]  }
0x35e: {  	v12 =	vld [tilespmem:s6+$0xFFFFFFE0]  }
0x35f: {  	v13 =	vld [tilespmem:s31+$0xFFFFFFF0]  }
0x360: {  	v14 =	vld [tilespmem:s6+$0xFFFFFFF0]  }
0x361: {  	s7 =	simm.s32 $0x14000;
	v15 =	vld [tilespmem:s31+$0xFFFFFF90]  }
0x362: {  	s8 =	simm.s32 $0x11800;
	v8 =	vld.idx.msk [tilespmem:v0+s7+$0x0], $0xffff  }
0x363: {  	v1 =	vld.idx.msk [tilespmem:v1+s8+$0x0], $0xffff  }
0x364: {  	v0 =	vld [tilespmem:s6+$0xFFFFFFC0]  }
0x365: {  	v16 =	vld.idx.msk [tilespmem:v2+s8+$0x0], $0xffff  }
0x366: {  	v3 =	vld.idx.msk [tilespmem:v3+s7+$0x0], $0xffff  }
0x367: {  	v4 =	vld.idx.msk [tilespmem:v4+s8+$0x0], $0xffff  }
0x368: {  	v5 =	vld.idx.msk [tilespmem:v5+s7+$0x0], $0xffff  }
0x369: {  	v6 =	vld.idx.msk [tilespmem:v6+s8+$0x0], $0xffff  }
0x36a: {  	v7 =	vld.idx.msk [tilespmem:v7+s7+$0x0], $0xffff  }
0x36b: {  	v15 =	vld.idx.msk [tilespmem:v15+s7+$0x0], $0xffff  }
0x36c: {  	v17 =	vld.idx.msk [tilespmem:v0+s8+$0x0], $0xffff  }
0x36d: {  	v2 =	vld.idx.msk [tilespmem:v10+s8+$0x0], $0xffff  }
0x36e: {  	v8 =	vmul.f32 v1, v8;
	v1 =	vld.idx.msk [tilespmem:v11+s7+$0x0], $0xffff  }
0x36f: {  	s9 =	simm.s32 $0xDC70;
	v3 =	vmul.f32 v4, v3;
	v0 =	vld.idx.msk [tilespmem:v9+s7+$0x0], $0xffff  }
0x370: {  	v5 =	vmul.f32 v6, v5;
	v4 =	vld.idx.msk [tilespmem:v12+s8+$0x0], $0xffff;
	[tilespmem:s9+$0x0] =	vst v8  }
0x371: {  	[tilespmem:s9+$0xFFFFFFA0] =	vst v3;
	v3 =	vld.idx.msk [tilespmem:v13+s7+$0x0], $0xffff;
	v7 =	vmul.f32 v17, v7  }
0x372: {  	s10 =	simm.s32 $0x3C00;
	s11 =	simm.s32 $0x3CF0;
	v6 =	vmul.f32 v16, v15;
	[tilespmem:s9+$0xFFFFFFB0] =	vst v5;
	v5 =	vld.idx.msk [tilespmem:v14+s8+$0x0], $0xffff  }
.LBB2_32:
0x373: {  	v8 =	vld [tilespmem:s11+$0x0];
	[tilespmem:s9+$0xFFFFFFC0] =	vst v7;
	s6 =	sadd.s32 $0x80, s6  }
0x374: {  	s10 =	sadd.s32 $0x80, s10;
	v0 =	vmul.f32 v2, v0;
	v7 =	vld [tilespmem:s6+$0x0];
	[tilespmem:s9+$0xFFFFFF90] =	vst v6  }
0x375: {  	p0 =	slt.u32 s10, $0x4F80;
	v2 =	vld [tilespmem:s6+$0xFFFFFF90]  }
0x376: {  	v6 =	vld [tilespmem:s11+$0xFFFFFFA0];
	[tilespmem:s9+$0xFFFFFFD0] =	vst v0;
	v0 =	vmul.f32 v4, v1  }
0x377: {  	v1 =	vld [tilespmem:s6+$0xFFFFFFA0]  }
0x378: {  	v4 =	vld [tilespmem:s11+$0xFFFFFFB0];
	[tilespmem:s9+$0xFFFFFFE0] =	vst v0;
	v0 =	vmul.f32 v5, v3  }
0x379: {  	v3 =	vld [tilespmem:s6+$0xFFFFFFB0]  }
0x37a: {  	v5 =	vld [tilespmem:s11+$0xFFFFFFC0];
	[tilespmem:s9+$0xFFFFFFF0] =	vst v0  }
0x37b: {  	v0 =	vld.idx.msk [tilespmem:v8+s7+$0x0], $0xffff  }
0x37c: {  	v7 =	vld.idx.msk [tilespmem:v7+s8+$0x0], $0xffff  }
0x37d: {  	v8 =	vld [tilespmem:s6+$0xFFFFFFC0]  }
0x37e: {  	v9 =	vld [tilespmem:s11+$0xFFFFFFD0]  }
0x37f: {  	v10 =	vld [tilespmem:s6+$0xFFFFFFD0]  }
0x380: {  	v11 =	vld [tilespmem:s11+$0xFFFFFFE0]  }
0x381: {  	v12 =	vld [tilespmem:s6+$0xFFFFFFE0]  }
0x382: {  	v0 =	vmul.f32 v7, v0;
	v13 =	vld [tilespmem:s11+$0xFFFFFFF0]  }
0x383: {  	s9 =	sadd.s32 $0x80, s9;
	v14 =	vld [tilespmem:s6+$0xFFFFFFF0]  }
0x384: {  	v7 =	vld [tilespmem:s11+$0xFFFFFF90];
	[tilespmem:s9+$0x0] =	vst v0  }
0x385: {  	v15 =	vld.idx.msk [tilespmem:v2+s8+$0x0], $0xffff  }
0x386: {  	v0 =	vld.idx.msk [tilespmem:v6+s7+$0x0], $0xffff  }
0x387: {  	v1 =	vld.idx.msk [tilespmem:v1+s8+$0x0], $0xffff  }
0x388: {  	v4 =	vld.idx.msk [tilespmem:v4+s7+$0x0], $0xffff  }
0x389: {  	v3 =	vld.idx.msk [tilespmem:v3+s8+$0x0], $0xffff  }
0x38a: {  	v5 =	vld.idx.msk [tilespmem:v5+s7+$0x0], $0xffff  }
0x38b: {  	v6 =	vld.idx.msk [tilespmem:v8+s8+$0x0], $0xffff  }
0x38c: {  	v8 =	vld.idx.msk [tilespmem:v7+s7+$0x0], $0xffff  }
0x38d: {  	v1 =	vmul.f32 v1, v0;
	v0 =	vld.idx.msk [tilespmem:v9+s7+$0x0], $0xffff  }
.Ltmp16:
0x38e: {  	v2 =	vld.idx.msk [tilespmem:v10+s8+$0x0], $0xffff;
	(pc) =	sbr.rel @p0 .LBB2_32-.Ltmp16, $4  }
0x38f: {  	v3 =	vmul.f32 v3, v4;
	[tilespmem:s9+$0xFFFFFFA0] =	vst v1;
	v1 =	vld.idx.msk [tilespmem:v11+s7+$0x0], $0xffff  }
0x390: {  	v4 =	vld.idx.msk [tilespmem:v12+s8+$0x0], $0xffff  }
0x391: {  	v7 =	vmul.f32 v6, v5;
	[tilespmem:s9+$0xFFFFFFB0] =	vst v3;
	v3 =	vld.idx.msk [tilespmem:v13+s7+$0x0], $0xffff  }
0x392: {  	s11 =	sadd.s32 $0x80, s11;
	v6 =	vmul.f32 v15, v8;
	v5 =	vld.idx.msk [tilespmem:v14+s8+$0x0], $0xffff  }
0x393: {  	_ =	sdelay $0x1  }
0x394: {  	[tilespmem:s9+$0xFFFFFFC0] =	vst v7;
	v0 =	vmul.f32 v2, v0  }
0x395: {  	[tilespmem:s9+$0xFFFFFF90] =	vst v6;
	v1 =	vmul.f32 v4, v1  }
0x396: {  	[tilespmem:s9+$0xFFFFFFD0] =	vst v0;
	v0 =	vmul.f32 v5, v3  }
0x397: {  	s6 =	simm.s32 $0x1400;
	[tilespmem:s9+$0xFFFFFFE0] =	vst v1  }
0x398: {  	s7 =	simm.s32 $0x8C00;
	s8 =	simm.s32 $0xDC00;
	[tilespmem:s9+$0xFFFFFFF0] =	vst v0;
	s9 =	simm.s32 $0x1  }
0x399: {  	[spmem:s4] =	stream.indirect.scatter.add.f32 [tilespmem:s8], [sflag:$0x1], $0x1, s7, s6, $0xb8;
	[tilespmem:$0x17480] =	vst v63  }
0x39a: {  	_ =	swait.ge [sflag:s9], $0x1400  }
0x39b: {  	[sflag:s9] =	ssyncset.done $0x0  }
0x39c: {  	[sflag:s9] =	ssyncadd.s32 $0xFFFFEC00  }
0x39d: {  	_ =	swait.ge [sflag:s9], $0x1400  }
0x39e: {  	[sflag:s9] =	ssyncset.done $0x0  }
0x39f: {  	[sflag:s9] =	ssyncadd.s32 $0xFFFFEC00  }
0x3a0: {  	_ =	swait.ge [sflag:s9], $0x1400  }
0x3a1: {  	[sflag:s9] =	ssyncset.done $0x0  }
0x3a2: {  	[sflag:s9] =	ssyncadd.s32 $0xFFFFEC00  }
0x3a3: {  	_ =	swait.ge [sflag:s9], $0x1400  }
0x3a4: {  	[sflag:s9] =	ssyncset.done $0x0  }
0x3a5: {  	[sflag:s9] =	ssyncadd.s32 $0xFFFFEC00  }
0x3a6: {  	s10 =	simm.s32 $0x16800;
	s11 =	simm.s32 $0x2;
	[bflag:$0x0] =	sbarrier.arrive $0xFFFF  }
0x3a7: {  	[tilespmem:s10], [sflag:$0x2] =	stream.linear.gather [spmem:s5], $0x280, $0x38;
	[tilespmem:$0x17480] =	vst v63  }
0x3a8: {  	_ =	swait.ge [sflag:s11], $0x280  }
0x3a9: {  	s12 =	sadd.s32 $0x0, s3;
	s13 =	simm.s32 $0x0;
	[sflag:s11] =	ssyncset.done $0x0  }
0x3aa: {  	s4 =	simm.s32 $0x16820;
	s5 =	sand.u32 $0x7F80, s12;
	[sflag:s11] =	ssyncadd.s32 $0xFFFFFD80  }
0x3ab: {  	s14 =	simm.s32 $0x10;
	s6 =	sand.u32 $0x40, s13;
	s5 =	sadd.s32 $0xF000, s5;
	v0 =	vld [tilespmem:s4+$0x0]  }
0x3ac: {  	s15 =	simm.s32 $0x20;
	s7 =	sand.u32 $0x50, s14;
	s6 =	sor.u32 s6, s5;
	v1 =	vld [tilespmem:s4+$0x10]  }
0x3ad: {  	s18 =	simm.s32 $0x30;
	s17 =	sand.u32 $0x60, s15;
	s16 =	sor.u32 s7, s5;
	v4 =	vld [tilespmem:s6+$0x0]  }
0x3ae: {  	s20 =	sand.u32 $0x70, s18;
	s19 =	sor.u32 s17, s5;
	v5 =	vld [tilespmem:s16+$0x0]  }
0x3af: {  	s5 =	sor.u32 s20, s5;
	v6 =	vld [tilespmem:s19+$0x0]  }
0x3b0: {  	v7 =	vld [tilespmem:s5+$0x0]  }
0x3b1: {  	s21 =	sadd.s32 $0x40, s3;
	v8 =	vld [tilespmem:s4+$0xFFFFFFE0]  }
0x3b2: {  	s22 =	simm.s32 $0x40;
	s23 =	sand.u32 $0x7F80, s21;
	v9 =	vld [tilespmem:s4+$0xFFFFFFF0];
	s5 =	simm.s32 $0x16860  }
0x3b3: {  	s24 =	simm.s32 $0x50;
	s7 =	sadd.s32 $0xF000, s23;
	s6 =	sand.u32 $0x40, s22;
	v2 =	vld [tilespmem:s5+$0x0]  }
0x3b4: {  	s25 =	simm.s32 $0x60;
	s8 =	sand.u32 $0x50, s24;
	s6 =	sor.u32 s6, s7;
	v3 =	vld [tilespmem:s5+$0x10];
	v6 =	vsub.f32 v0, v6  }
0x3b5: {  	s29 =	simm.s32 $0x70;
	s28 =	sand.u32 $0x60, s25;
	s26 =	sor.u32 s8, s7;
	v0 =	vld [tilespmem:s6+$0x0];
	v7 =	vsub.f32 v1, v7  }
0x3b6: {  	s31 =	sand.u32 $0x70, s29;
	s30 =	sor.u32 s28, s7;
	v1 =	vld [tilespmem:s26+$0x0];
	v8 =	vsub.f32 v8, v4;
	[tilespmem:s4+$0x0] =	vst v6  }
0x3b7: {  	s7 =	sor.u32 s31, s7;
	v4 =	vld [tilespmem:s30+$0x0];
	[tilespmem:s4+$0x10] =	vst v7  }
0x3b8: {  	s6 =	simm.s32 $0x80;
	v6 =	vsub.f32 v9, v5;
	v5 =	vld [tilespmem:s7+$0x0];
	[tilespmem:s4+$0xFFFFFFE0] =	vst v8  }
.LBB2_34:
0x3b9: {  	s7 =	sadd.s32 s6, s3;
	p0 =	slt.u32 s6, $0x240  }
0x3ba: {  	v7 =	vld [tilespmem:s5+$0xFFFFFFE0];
	[tilespmem:s4+$0xFFFFFFF0] =	vst v6;
	v6 =	vmov v3;
	s8 =	smov.u32 s6;
	s6 =	sadd.s32 $0x40, s6;
	s4 =	smov.u32 s5  }
0x3bb: {  	s5 =	sadd.s32 $0x40, s5;
	s7 =	sand.u32 $0x7F80, s7;
	s9 =	sadd.s32 $0x20, s8;
	v8 =	vld [tilespmem:s4+$0xFFFFFFF0];
	v9 =	vmov v0  }
0x3bc: {  	s10 =	sand.u32 $0x40, s8;
	s11 =	sadd.s32 $0x10, s8;
	s7 =	sadd.s32 $0xF000, s7;
	v10 =	vld [tilespmem:s5+$0x0];
	v11 =	vmov v1  }
.Ltmp17:
0x3bd: {  	s11 =	sand.u32 $0x50, s11;
	s10 =	sor.u32 s10, s7;
	v3 =	vld [tilespmem:s5+$0x10];
	v2 =	vsub.f32 v2, v4;
	(pc) =	sbr.rel @p0 .LBB2_34-.Ltmp17, $4  }
0x3be: {  	s8 =	sadd.s32 $0x30, s8;
	s9 =	sand.u32 $0x60, s9;
	v0 =	vld [tilespmem:s10+$0x0];
	s10 =	sor.u32 s11, s7;
	v5 =	vsub.f32 v6, v5  }
0x3bf: {  	s8 =	sand.u32 $0x70, s8;
	s9 =	sor.u32 s9, s7;
	v1 =	vld [tilespmem:s10+$0x0];
	v7 =	vsub.f32 v7, v9;
	[tilespmem:s4+$0x0] =	vst v2  }
0x3c0: {  	s7 =	sor.u32 s8, s7;
	v4 =	vld [tilespmem:s9+$0x0];
	v6 =	vsub.f32 v8, v11;
	[tilespmem:s4+$0x10] =	vst v5  }
0x3c1: {  	v5 =	vld [tilespmem:s7+$0x0];
	[tilespmem:s4+$0xFFFFFFE0] =	vst v7;
	v2 =	vmov v10  }
0x3c2: {  	v7 =	vld [tilespmem:s5+$0xFFFFFFE0]  }
0x3c3: {  	v8 =	vld [tilespmem:s5+$0xFFFFFFF0];
	_ =	sdelay $0x1  }
0x3c4: {  	v2 =	vsub.f32 v2, v4  }
0x3c5: {  	[tilespmem:s4+$0xFFFFFFF0] =	vst v6;
	v3 =	vsub.f32 v3, v5  }
0x3c6: {  	v0 =	vsub.f32 v7, v0;
	[tilespmem:s5+$0x0] =	vst v2  }
0x3c7: {  	v1 =	vsub.f32 v8, v1;
	[tilespmem:s5+$0x10] =	vst v3  }
0x3c8: {  	[tilespmem:s5+$0xFFFFFFE0] =	vst v0  }
0x3c9: {  	s3 =	simm.s32 $0x0;
	s30 =	simm.s32 $0x16800;
	s31 =	simm.s32 $0x2;
	[tilespmem:s5+$0xFFFFFFF0] =	vst v1  }
0x3ca: {  	[hbm4b:s2+s3] =	stream.linear.scatter [tilespmem:s30], [sflag:$0x2], $0x280, $0x38;
	[tilespmem:$0x17480] =	vst v63  }
0x3cb: {  	_ =	swait.ge [sflag:s31], $0x280  }
0x3cc: {  	[sflag:s31] =	ssyncset.done $0x0  }
0x3cd: {  	[sflag:s31] =	ssyncadd.s32 $0xFFFFFD80  }
0x3ce: {  	_ =	sfence.sel $0x180000  }
0x3cf: {  	[bflag:$0x0] =	sbarrier.arrive $0xFFFF  }
0x3d0: {  	p0 =	sne.s32 s1, $0x0;
	_ =	strace $0x90000047  }
0x3d1: {  	s0 =	sadd.s32 @!p0 $0x100000, s0;
	[bflag:$0x2] =	sbarrier.arrive $0xFFFF  }
0x3d2: {  	[sflag:s0] =	ssyncadd.tile.s32 @!p0 $0x1;
	_ =	shalt  }
.Lfunc_end2:
_tile_overlayer_lowered:
.L_overlay_start_2:
0x3d3: {  	(tag) =	ssettag $0x2  }
0x3d4: {  	s0 =	rddreg [dreg:$0x0];
	s2 =	stileid.u32  }
0x3d5: {  	s1 =	rddreg [dreg:$0x1];
	p0 =	sne.s32 s2, $0x0  }
0x3d6: {  	s3 =	rddreg [dreg:$0x2];
	[bflag:$0x3] =	sbarrier.arrive $0xFFFF;
	s2 =	simm.s32 @!p0 $0x1C02  }
0x3d7: {  	[timem:s3], [sflag:s2] =	dma.local @!p0 [hbm:s0], s1  }
0x3d8: {  	s0 =	simm.s32 @!p0 $0x2  }
0x3d9: {  	_ =	swait.ge @!p0 [sflag:s0], s1  }
0x3da: {  	s1 =	ssub.s32 @!p0 $0x0, s1;
	[sflag:s0] =	ssyncset.done @!p0 $0x0  }
0x3db: {  	[sflag:s0] =	ssyncadd.s32 @!p0 s1  }
0x3dc: {  	[bflag:$0x3] =	sbarrier.arrive $0xFFFF  }
0x3dd: {  	_ =	shalt  }

</sc_bundles>
